<compile_context>
chip_gen: v7x
topology: tpu7x:2x2x1
jax: 0.10.2.dev20260603
libtpu: 0.0.44.dev20260713+nightly
codegen_flags: <defaults>
</compile_context>

<pallas_src>
import functools

import jax
import jax.numpy as jnp
from jax import lax
from jax.experimental import pallas as pl
from jax.experimental.pallas import tpu as pltpu
from jax.experimental.pallas import tpu_sc as plsc

N = 10000
E = 320000
D_IN = 128
D_HID = 16
D_OUT = 8

NC, NS = 2, 16
NW = NC * NS
EROWS = E // 128
BASE = EROWS // NW
EXTRA = EROWS - BASE * NW
KJ = BASE + 1
NROW = 10240
ZROWS = NROW // NS
GTAIL = N - (NS - 1) * ZROWS

def _worker_id():
    return lax.axis_index("c") * NS + lax.axis_index("s")


def _edge_rows(hbm, vmem):
    w = _worker_id()

    @pl.when(w < EXTRA)
    def _():
        pltpu.sync_copy(hbm.at[pl.ds(w * (BASE + 1), BASE + 1)], vmem)

    @pl.when(w >= EXTRA)
    def _():
        pltpu.sync_copy(hbm.at[pl.ds(EXTRA + w * BASE, BASE)],
                        vmem.at[pl.ds(0, BASE)])

    return jnp.where(w < EXTRA, BASE + 1, BASE)


def _zero_accumulator(acc_sh, zbuf):
    s = lax.axis_index("s")

    def zrow(j, _):
        zbuf[j, :] = jnp.zeros((16,), jnp.float32)
        return 0

    lax.fori_loop(0, ZROWS, zrow, 0)
    pltpu.sync_copy(zbuf, acc_sh.at[pl.ds(s * ZROWS, ZROWS)])


def _copy_out(acc_sh, zbuf, out_hbm):
    c = lax.axis_index("c")
    s = lax.axis_index("s")
    pltpu.sync_copy(acc_sh.at[pl.ds(s * ZROWS, ZROWS)], zbuf)
    pltpu.sync_copy(zbuf, out_hbm.at[c, pl.ds(s * ZROWS, ZROWS)])


@functools.cache
def _build_sc_kernels():
    mesh = plsc.VectorSubcoreMesh(
        core_axis_name="c", subcore_axis_name="s", num_cores=NC, num_subcores=NS)
    params = pltpu.CompilerParams(use_tc_tiling_on_sc=False)

    @functools.partial(
        pl.kernel,
        out_type=jax.ShapeDtypeStruct((NC, NROW, 16), jnp.float32),
        mesh=mesh,
        compiler_params=params,
        scratch_types=[
            pltpu.VMEM((KJ, 128), jnp.int32),
            pltpu.VMEM((128, 16), jnp.float32),
            pltpu.VMEM((ZROWS, 16), jnp.float32),
            pltpu.VMEM_SHARED((NROW, 16), jnp.float32),
        ],
    )
    def sc_degree(dst_hbm, out_hbm, dst_v, ones_v, zbuf, acc_sh):
        nrows = _edge_rows(dst_hbm, dst_v)

        def orow(j, _):
            ones_v[j, :] = jnp.full((16,), 1.0, jnp.float32)
            return 0

        lax.fori_loop(0, 128, orow, 0)
        _zero_accumulator(acc_sh, zbuf)
        plsc.subcore_barrier()

        def step(j, _):
            pltpu.sync_copy(ones_v, acc_sh.at[dst_v.at[j]], add=True)
            return 0

        lax.fori_loop(0, nrows, step, 0)
        plsc.subcore_barrier()
        _copy_out(acc_sh, zbuf, out_hbm)

    @functools.partial(
        pl.kernel,
        out_type=jax.ShapeDtypeStruct((NC, NROW, 16), jnp.float32),
        mesh=mesh,
        compiler_params=params,
        scratch_types=[
            pltpu.VMEM((KJ, 128), jnp.int32),
            pltpu.VMEM((KJ, 128), jnp.int32),
            pltpu.VMEM((2, 128, 16), jnp.float32),
            pltpu.VMEM((ZROWS, 16), jnp.float32),
            pltpu.VMEM((ZROWS, 16), jnp.float32),
            pltpu.VMEM_SHARED((NROW, 16), jnp.float32),
            pltpu.VMEM_SHARED((NROW, 16), jnp.float32),
            pltpu.SemaphoreType.DMA,
            pltpu.SemaphoreType.DMA,
        ],
    )
    def sc_aggregate(g_hbm, src_hbm, dst_hbm, out_hbm,
                     src_v, dst_v, rows2, zbuf, gstage, acc_sh, g_sh,
                     sem, sem2):
        s = lax.axis_index("s")

        @pl.when(s < NS - 1)
        def _():
            pltpu.async_copy(g_hbm.at[pl.ds(s * ZROWS, ZROWS)], gstage, sem2)

        @pl.when(s == NS - 1)
        def _():
            pltpu.async_copy(g_hbm.at[pl.ds((NS - 1) * ZROWS, GTAIL)],
                             gstage.at[pl.ds(0, GTAIL)], sem2)

        nrows = _edge_rows(src_hbm, src_v)
        _edge_rows(dst_hbm, dst_v)
        _zero_accumulator(acc_sh, zbuf)

        @pl.when(s < NS - 1)
        def _():
            pltpu.make_async_copy(
                g_hbm.at[pl.ds(s * ZROWS, ZROWS)], gstage, sem2).wait()
            pltpu.sync_copy(gstage, g_sh.at[pl.ds(s * ZROWS, ZROWS)])

        @pl.when(s == NS - 1)
        def _():
            pltpu.make_async_copy(
                g_hbm.at[pl.ds((NS - 1) * ZROWS, GTAIL)],
                gstage.at[pl.ds(0, GTAIL)], sem2).wait()
            pltpu.sync_copy(gstage.at[pl.ds(0, GTAIL)],
                            g_sh.at[pl.ds((NS - 1) * ZROWS, GTAIL)])

        plsc.subcore_barrier()

        pltpu.async_copy(g_sh.at[src_v.at[0]], rows2.at[0], sem)

        def step(j, _):
            p = lax.rem(j, 2)
            pltpu.make_async_copy(
                g_hbm.at[pl.ds(0, 128)], rows2.at[p], sem).wait()

            @pl.when(j + 1 < nrows)
            def _():
                pltpu.async_copy(g_sh.at[src_v.at[j + 1]],
                                 rows2.at[1 - p], sem)

            pltpu.sync_copy(rows2.at[p], acc_sh.at[dst_v.at[j]], add=True)
            return 0

        lax.fori_loop(0, nrows, step, 0)
        plsc.subcore_barrier()
        _copy_out(acc_sh, zbuf, out_hbm)

    return sc_degree, sc_aggregate


def _tc1_body(x_ref, w_ref, d0_ref, d1_ref, g_ref, dv_ref):
    deg = d0_ref[0, :, 0:1] + d1_ref[0, :, 0:1] + 1.0
    dinv = lax.rsqrt(deg)
    h = jnp.dot(x_ref[...], w_ref[...], preferred_element_type=jnp.float32)
    g_ref[...] = h * dinv
    dv_ref[...] = jnp.broadcast_to(dinv, h.shape)


def _tc2_body(p0_ref, p1_ref, g1_ref, dv_ref, b1_ref, w2_ref, out_ref):
    acc = p0_ref[0] + p1_ref[0] + g1_ref[...]
    dv = dv_ref[...]
    o1 = jnp.maximum(dv * acc + b1_ref[...], 0.0)
    h2 = jnp.dot(o1, w2_ref[...], preferred_element_type=jnp.float32)
    out_ref[...] = dv * h2


def _tc3_body(p0_ref, p1_ref, g2_ref, dv_ref, b2_ref, out_ref):
    o2 = dv_ref[...] * (p0_ref[0] + p1_ref[0] + g2_ref[...])
    o2 = o2[:, 0:D_OUT] + b2_ref[...]
    m = jnp.max(o2, axis=1, keepdims=True)
    s = o2 - m
    lse = jnp.log(jnp.sum(jnp.exp(s), axis=1, keepdims=True))
    out_ref[...] = s - lse


_RB = 1000
_row = lambda i: (i, 0)
_const = lambda i: (0, 0)
_part0 = lambda i: (0, i, 0)
_part1 = lambda i: (1, i, 0)


def _tc1(x, W1, degp):
    return pl.pallas_call(
        _tc1_body,
        grid=(N // _RB,),
        in_specs=[
            pl.BlockSpec((_RB, D_IN), _row),
            pl.BlockSpec((D_IN, 16), _const),
            pl.BlockSpec((1, _RB, 16), _part0),
            pl.BlockSpec((1, _RB, 16), _part1),
        ],
        out_specs=[
            pl.BlockSpec((_RB, 16), _row),
            pl.BlockSpec((_RB, 16), _row),
        ],
        out_shape=[
            jax.ShapeDtypeStruct((N, 16), jnp.float32),
            jax.ShapeDtypeStruct((N, 16), jnp.float32),
        ],
    )(x, W1, degp, degp)


def _tc2(p1, g1, dv, b1, W2p):
    return pl.pallas_call(
        _tc2_body,
        grid=(N // _RB,),
        in_specs=[
            pl.BlockSpec((1, _RB, 16), _part0),
            pl.BlockSpec((1, _RB, 16), _part1),
            pl.BlockSpec((_RB, 16), _row),
            pl.BlockSpec((_RB, 16), _row),
            pl.BlockSpec((1, 16), _const),
            pl.BlockSpec((16, 16), _const),
        ],
        out_specs=pl.BlockSpec((_RB, 16), _row),
        out_shape=jax.ShapeDtypeStruct((N, 16), jnp.float32),
    )(p1, p1, g1, dv, b1, W2p)


def _tc3(p2, g2, dv, b2):
    return pl.pallas_call(
        _tc3_body,
        grid=(N // _RB,),
        in_specs=[
            pl.BlockSpec((1, _RB, 16), _part0),
            pl.BlockSpec((1, _RB, 16), _part1),
            pl.BlockSpec((_RB, 16), _row),
            pl.BlockSpec((_RB, 16), _row),
            pl.BlockSpec((1, D_OUT), _const),
        ],
        out_specs=pl.BlockSpec((_RB, D_OUT), _row),
        out_shape=jax.ShapeDtypeStruct((N, D_OUT), jnp.float32),
    )(p2, p2, g2, dv, b2)


def kernel(x, edge_index, W1, b1, W2, b2):
    src2d = edge_index[0].reshape(EROWS, 128)
    dst2d = edge_index[1].reshape(EROWS, 128)

    W2p = jnp.pad(W2, ((0, 0), (0, 16 - D_OUT)))
    b1r = b1.reshape(1, 16)
    b2r = b2.reshape(1, D_OUT)

    sc_degree, sc_aggregate = _build_sc_kernels()
    degp = sc_degree(dst2d)
    g1, dv = _tc1(x, W1, degp)
    p1 = sc_aggregate(g1, src2d, dst2d)
    g2 = _tc2(p1, g1, dv, b1r, W2p)
    p2 = sc_aggregate(g2, src2d, dst2d)
    return _tc3(p2, g2, dv, b2r)

# --- scband reference (transcript-rebuilt; emitter-appended) ---
"""Pipeline reference for scband-net-87557203296258 (READ-ONLY COPY).

The authoritative reference and input builder live on the scoring server;
editing this copy changes nothing except your own understanding.
"""

import jax, jax.numpy as jnp
import numpy as np

N = 10000
E = 320000
D_IN = 128
D_HID = 16
D_OUT = 8


def setup_inputs(seed: int = 0) -> dict:
    key = jax.random.key(seed)
    ks = jax.random.split(key, 6)
    x = jax.random.normal(ks[0], (N, D_IN), dtype=jnp.float32)
    edge_index = jax.random.randint(ks[1], (2, E), 0, N, dtype=jnp.int32)
    W1 = jax.random.normal(ks[2], (D_IN, D_HID), dtype=jnp.float32) * 0.05
    b1 = jnp.zeros((D_HID,), dtype=jnp.float32)
    W2 = jax.random.normal(ks[3], (D_HID, D_OUT), dtype=jnp.float32) * 0.05
    b2 = jnp.zeros((D_OUT,), dtype=jnp.float32)
    return {"x": x, "edge_index": edge_index, "W1": W1, "b1": b1, "W2": W2, "b2": b2}


def gcn_conv(x, edge_index, W, b):
    # GCNConv: h = D^{-1/2} (A + I) D^{-1/2} (x W) + b
    h = x @ W
    src = edge_index[0]
    dst = edge_index[1]
    loop = jnp.arange(N, dtype=src.dtype)
    src = jnp.concatenate([src, loop])
    dst = jnp.concatenate([dst, loop])
    ones = jnp.ones(src.shape[0], dtype=h.dtype)
    deg = jnp.zeros((N,), dtype=h.dtype).at[dst].add(ones)
    deg_inv_sqrt = jnp.where(deg > 0, deg ** -0.5, 0.0)
    norm = deg_inv_sqrt[src] * deg_inv_sqrt[dst]
    msg = h[src] * norm[:, None]
    out = jnp.zeros((N, h.shape[1]), dtype=h.dtype).at[dst].add(msg)
    return out + b


def reference(x, edge_index, W1, b1, W2, b2):
    h = jax.nn.relu(gcn_conv(x, edge_index, W1, b1))
    out = gcn_conv(h, edge_index, W2, b2)
    return jax.nn.log_softmax(out, axis=1)

if __name__ == "__main__":
    import jax
    _d = setup_inputs()
    print(jax.jit(kernel)(*tuple(_d.values())))

</pallas_src>

<mosaic_0001>
#map = affine_map<(d0, d1) -> (0, 0)>
#map1 = affine_map<(d0, d1) -> (0, 0, 0)>
module attributes {stable_mosaic.version = 14 : i64} {
  func.func @sc_aggregate(%arg0: i32, %arg1: i32, %arg2: memref<10000x16xf32, #tpu.memory_space<hbm>>, %arg3: memref<2500x128xi32, #tpu.memory_space<hbm>>, %arg4: memref<2500x128xi32, #tpu.memory_space<hbm>>, %arg5: memref<2x10240x16xf32, #tpu.memory_space<hbm>>, %arg6: memref<79x128xi32, #tpu.memory_space<vmem>>, %arg7: memref<79x128xi32, #tpu.memory_space<vmem>>, %arg8: memref<2x128x16xf32, #tpu.memory_space<vmem>>, %arg9: memref<640x16xf32, #tpu.memory_space<vmem>>, %arg10: memref<640x16xf32, #tpu.memory_space<vmem>>, %arg11: memref<10240x16xf32, #tpu.memory_space<vmem_shared>>, %arg12: memref<10240x16xf32, #tpu.memory_space<vmem_shared>>, %arg13: memref<!tpu.dma_semaphore, #tpu.memory_space<semaphore_mem>>, %arg14: memref<!tpu.dma_semaphore, #tpu.memory_space<semaphore_mem>>) attributes {dimension_semantics = [#tpu.dimension_semantics<core_parallel>, #tpu.dimension_semantics<subcore_parallel>], iteration_bounds = array<i64: 2, 16>, scalar_prefetch = 0 : i64, scratch_operands = 9 : i64, tpu.core_type = #tpu.core_type<sc_vector_subcore>, window_params = [{transform_indices = #map}, {transform_indices = #map}, {transform_indices = #map}, {transform_indices = #map1}]} {
    %lt3A = arith.constant 15 : i32
    %lt3A_0 = arith.cmpi slt, %arg1, %lt3A : i32
    %convert_element_type3A = arith.extui %lt3A_0 : i1 to i32
    %cond3A = arith.constant 0 : i32
    %cond3A_1 = arith.cmpi ne, %convert_element_type3A, %cond3A : i32
    scf.if %cond3A_1 {
      %mul3A_82 = arith.constant 640 : i32
      %mul3A_83 = arith.muli %arg1, %mul3A_82 : i32
      %dma_start3A_84 = arith.constant 0 : i32
      %dma_start3A_85 = tpu.memref_slice %arg2[%mul3A_83, %dma_start3A_84] : memref<10000x16xf32, #tpu.memory_space<hbm>> -> memref<640x16xf32, #tpu.memory_space<hbm>>
      %dma_start3A_86 = arith.constant 0 : i32
      %dma_start3A_87 = tpu.memref_slice %arg2[%mul3A_83, %dma_start3A_86] : memref<10000x16xf32, #tpu.memory_space<hbm>> -> memref<640x16xf32, #tpu.memory_space<hbm>>
      tpu.enqueue_dma source(%dma_start3A_87 : memref<640x16xf32, #tpu.memory_space<hbm>>) target(%arg10 : memref<640x16xf32, #tpu.memory_space<vmem>>) target_semaphore(%arg14 : memref<!tpu.dma_semaphore, #tpu.memory_space<semaphore_mem>>)
    } else {
    }
    %eq3A = arith.constant 15 : i32
    %eq3A_2 = arith.cmpi eq, %arg1, %eq3A : i32
    %convert_element_type3A_3 = arith.extui %eq3A_2 : i1 to i32
    %cond3A_4 = arith.constant 0 : i32
    %cond3A_5 = arith.cmpi ne, %convert_element_type3A_3, %cond3A_4 : i32
    scf.if %cond3A_5 {
      %dma_start3A_82 = arith.constant 0 : i32
      %dma_start3A_83 = arith.constant 0 : i32
      %dma_start3A_84 = tpu.memref_slice %arg10[%dma_start3A_82, %dma_start3A_83] : memref<640x16xf32, #tpu.memory_space<vmem>> -> memref<400x16xf32, #tpu.memory_space<vmem>>
      %dma_start3A_85 = arith.constant 9600 : i32
      %dma_start3A_86 = arith.constant 0 : i32
      %dma_start3A_87 = tpu.memref_slice %arg2[%dma_start3A_85, %dma_start3A_86] : memref<10000x16xf32, #tpu.memory_space<hbm>> -> memref<400x16xf32, #tpu.memory_space<hbm>>
      %dma_start3A_88 = arith.constant 0 : i32
      %dma_start3A_89 = arith.constant 0 : i32
      %dma_start3A_90 = tpu.memref_slice %arg10[%dma_start3A_88, %dma_start3A_89] : memref<640x16xf32, #tpu.memory_space<vmem>> -> memref<400x16xf32, #tpu.memory_space<vmem>>
      %dma_start3A_91 = arith.constant 9600 : i32
      %dma_start3A_92 = arith.constant 0 : i32
      %dma_start3A_93 = tpu.memref_slice %arg2[%dma_start3A_91, %dma_start3A_92] : memref<10000x16xf32, #tpu.memory_space<hbm>> -> memref<400x16xf32, #tpu.memory_space<hbm>>
      tpu.enqueue_dma source(%dma_start3A_93 : memref<400x16xf32, #tpu.memory_space<hbm>>) target(%dma_start3A_90 : memref<400x16xf32, #tpu.memory_space<vmem>>) target_semaphore(%arg14 : memref<!tpu.dma_semaphore, #tpu.memory_space<semaphore_mem>>)
    } else {
    }
    %mul3A = arith.constant 16 : i32
    %mul3A_6 = arith.muli %arg0, %mul3A : i32
    %add3A = arith.addi %mul3A_6, %arg1 : i32
    %lt3A_7 = arith.constant 4 : i32
    %lt3A_8 = arith.cmpi slt, %add3A, %lt3A_7 : i32
    %convert_element_type3A_9 = arith.extui %lt3A_8 : i1 to i32
    %cond3A_10 = arith.constant 0 : i32
    %cond3A_11 = arith.cmpi ne, %convert_element_type3A_9, %cond3A_10 : i32
    scf.if %cond3A_11 {
      %mul3A_82 = arith.constant 79 : i32
      %mul3A_83 = arith.muli %add3A, %mul3A_82 : i32
      "tpu.region"() ({
        %run_scoped3A = tpu.sem_alloc : memref<!tpu.dma_semaphore, #tpu.memory_space<semaphore_mem>>
        %dma_start3A_84 = arith.constant 0 : i32
        %dma_start3A_85 = tpu.memref_slice %arg3[%mul3A_83, %dma_start3A_84] : memref<2500x128xi32, #tpu.memory_space<hbm>> -> memref<79x128xi32, #tpu.memory_space<hbm>>
        %dma_start3A_86 = arith.constant 0 : i32
        %dma_start3A_87 = tpu.memref_slice %arg3[%mul3A_83, %dma_start3A_86] : memref<2500x128xi32, #tpu.memory_space<hbm>> -> memref<79x128xi32, #tpu.memory_space<hbm>>
        tpu.enqueue_dma source(%dma_start3A_87 : memref<79x128xi32, #tpu.memory_space<hbm>>) target(%arg6 : memref<79x128xi32, #tpu.memory_space<vmem>>) target_semaphore(%run_scoped3A : memref<!tpu.dma_semaphore, #tpu.memory_space<semaphore_mem>>)
        %dma_wait3A = arith.constant 0 : i32
        %dma_wait3A_88 = tpu.memref_slice %arg3[%mul3A_83, %dma_wait3A] : memref<2500x128xi32, #tpu.memory_space<hbm>> -> memref<79x128xi32, #tpu.memory_space<hbm>>
        %dma_wait3A_89 = arith.constant 0 : i32
        %dma_wait3A_90 = tpu.memref_slice %arg3[%mul3A_83, %dma_wait3A_89] : memref<2500x128xi32, #tpu.memory_space<hbm>> -> memref<79x128xi32, #tpu.memory_space<hbm>>
        tpu.wait_dma2 semaphore(%run_scoped3A : memref<!tpu.dma_semaphore, #tpu.memory_space<semaphore_mem>>) src(%dma_wait3A_90 : memref<79x128xi32, #tpu.memory_space<hbm>>) dst(%arg6 : memref<79x128xi32, #tpu.memory_space<vmem>>)
        tpu.yield
      }) : () -> ()
    } else {
    }
    %ge3A = arith.constant 4 : i32
    %ge3A_12 = arith.cmpi sge, %add3A, %ge3A : i32
    %convert_element_type3A_13 = arith.extui %ge3A_12 : i1 to i32
    %cond3A_14 = arith.constant 0 : i32
    %cond3A_15 = arith.cmpi ne, %convert_element_type3A_13, %cond3A_14 : i32
    scf.if %cond3A_15 {
      %mul3A_82 = arith.constant 78 : i32
      %mul3A_83 = arith.muli %add3A, %mul3A_82 : i32
      %add3A_84 = arith.constant 4 : i32
      %add3A_85 = arith.addi %add3A_84, %mul3A_83 : i32
      "tpu.region"() ({
        %run_scoped3A = tpu.sem_alloc : memref<!tpu.dma_semaphore, #tpu.memory_space<semaphore_mem>>
        %dma_start3A_86 = arith.constant 0 : i32
        %dma_start3A_87 = arith.constant 0 : i32
        %dma_start3A_88 = tpu.memref_slice %arg6[%dma_start3A_86, %dma_start3A_87] : memref<79x128xi32, #tpu.memory_space<vmem>> -> memref<78x128xi32, #tpu.memory_space<vmem>>
        %dma_start3A_89 = arith.constant 0 : i32
        %dma_start3A_90 = tpu.memref_slice %arg3[%add3A_85, %dma_start3A_89] : memref<2500x128xi32, #tpu.memory_space<hbm>> -> memref<78x128xi32, #tpu.memory_space<hbm>>
        %dma_start3A_91 = arith.constant 0 : i32
        %dma_start3A_92 = arith.constant 0 : i32
        %dma_start3A_93 = tpu.memref_slice %arg6[%dma_start3A_91, %dma_start3A_92] : memref<79x128xi32, #tpu.memory_space<vmem>> -> memref<78x128xi32, #tpu.memory_space<vmem>>
        %dma_start3A_94 = arith.constant 0 : i32
        %dma_start3A_95 = tpu.memref_slice %arg3[%add3A_85, %dma_start3A_94] : memref<2500x128xi32, #tpu.memory_space<hbm>> -> memref<78x128xi32, #tpu.memory_space<hbm>>
        tpu.enqueue_dma source(%dma_start3A_95 : memref<78x128xi32, #tpu.memory_space<hbm>>) target(%dma_start3A_93 : memref<78x128xi32, #tpu.memory_space<vmem>>) target_semaphore(%run_scoped3A : memref<!tpu.dma_semaphore, #tpu.memory_space<semaphore_mem>>)
        %dma_wait3A = arith.constant 0 : i32
        %dma_wait3A_96 = arith.constant 0 : i32
        %dma_wait3A_97 = tpu.memref_slice %arg6[%dma_wait3A, %dma_wait3A_96] : memref<79x128xi32, #tpu.memory_space<vmem>> -> memref<78x128xi32, #tpu.memory_space<vmem>>
        %dma_wait3A_98 = arith.constant 0 : i32
        %dma_wait3A_99 = tpu.memref_slice %arg3[%add3A_85, %dma_wait3A_98] : memref<2500x128xi32, #tpu.memory_space<hbm>> -> memref<78x128xi32, #tpu.memory_space<hbm>>
        %dma_wait3A_100 = arith.constant 0 : i32
        %dma_wait3A_101 = arith.constant 0 : i32
        %dma_wait3A_102 = tpu.memref_slice %arg6[%dma_wait3A_100, %dma_wait3A_101] : memref<79x128xi32, #tpu.memory_space<vmem>> -> memref<78x128xi32, #tpu.memory_space<vmem>>
        %dma_wait3A_103 = arith.constant 0 : i32
        %dma_wait3A_104 = tpu.memref_slice %arg3[%add3A_85, %dma_wait3A_103] : memref<2500x128xi32, #tpu.memory_space<hbm>> -> memref<78x128xi32, #tpu.memory_space<hbm>>
        tpu.wait_dma2 semaphore(%run_scoped3A : memref<!tpu.dma_semaphore, #tpu.memory_space<semaphore_mem>>) src(%dma_wait3A_104 : memref<78x128xi32, #tpu.memory_space<hbm>>) dst(%dma_wait3A_102 : memref<78x128xi32, #tpu.memory_space<vmem>>)
        tpu.yield
      }) : () -> ()
    } else {
    }
    %lt3A_16 = arith.constant 4 : i32
    %lt3A_17 = arith.cmpi slt, %add3A, %lt3A_16 : i32
    %jit3A = arith.constant 79 : i32
    %jit3A_18 = arith.constant 78 : i32
    %select_n3A = arith.select %lt3A_17, %jit3A, %jit3A_18 : i32
    %mul3A_19 = arith.constant 16 : i32
    %mul3A_20 = arith.muli %arg0, %mul3A_19 : i32
    %add3A_21 = arith.addi %mul3A_20, %arg1 : i32
    %lt3A_22 = arith.constant 4 : i32
    %lt3A_23 = arith.cmpi slt, %add3A_21, %lt3A_22 : i32
    %convert_element_type3A_24 = arith.extui %lt3A_23 : i1 to i32
    %cond3A_25 = arith.constant 0 : i32
    %cond3A_26 = arith.cmpi ne, %convert_element_type3A_24, %cond3A_25 : i32
    scf.if %cond3A_26 {
      %mul3A_82 = arith.constant 79 : i32
      %mul3A_83 = arith.muli %add3A_21, %mul3A_82 : i32
      "tpu.region"() ({
        %run_scoped3A = tpu.sem_alloc : memref<!tpu.dma_semaphore, #tpu.memory_space<semaphore_mem>>
        %dma_start3A_84 = arith.constant 0 : i32
        %dma_start3A_85 = tpu.memref_slice %arg4[%mul3A_83, %dma_start3A_84] : memref<2500x128xi32, #tpu.memory_space<hbm>> -> memref<79x128xi32, #tpu.memory_space<hbm>>
        %dma_start3A_86 = arith.constant 0 : i32
        %dma_start3A_87 = tpu.memref_slice %arg4[%mul3A_83, %dma_start3A_86] : memref<2500x128xi32, #tpu.memory_space<hbm>> -> memref<79x128xi32, #tpu.memory_space<hbm>>
        tpu.enqueue_dma source(%dma_start3A_87 : memref<79x128xi32, #tpu.memory_space<hbm>>) target(%arg7 : memref<79x128xi32, #tpu.memory_space<vmem>>) target_semaphore(%run_scoped3A : memref<!tpu.dma_semaphore, #tpu.memory_space<semaphore_mem>>)
        %dma_wait3A = arith.constant 0 : i32
        %dma_wait3A_88 = tpu.memref_slice %arg4[%mul3A_83, %dma_wait3A] : memref<2500x128xi32, #tpu.memory_space<hbm>> -> memref<79x128xi32, #tpu.memory_space<hbm>>
        %dma_wait3A_89 = arith.constant 0 : i32
        %dma_wait3A_90 = tpu.memref_slice %arg4[%mul3A_83, %dma_wait3A_89] : memref<2500x128xi32, #tpu.memory_space<hbm>> -> memref<79x128xi32, #tpu.memory_space<hbm>>
        tpu.wait_dma2 semaphore(%run_scoped3A : memref<!tpu.dma_semaphore, #tpu.memory_space<semaphore_mem>>) src(%dma_wait3A_90 : memref<79x128xi32, #tpu.memory_space<hbm>>) dst(%arg7 : memref<79x128xi32, #tpu.memory_space<vmem>>)
        tpu.yield
      }) : () -> ()
    } else {
    }
    %ge3A_27 = arith.constant 4 : i32
    %ge3A_28 = arith.cmpi sge, %add3A_21, %ge3A_27 : i32
    %convert_element_type3A_29 = arith.extui %ge3A_28 : i1 to i32
    %cond3A_30 = arith.constant 0 : i32
    %cond3A_31 = arith.cmpi ne, %convert_element_type3A_29, %cond3A_30 : i32
    scf.if %cond3A_31 {
      %mul3A_82 = arith.constant 78 : i32
      %mul3A_83 = arith.muli %add3A_21, %mul3A_82 : i32
      %add3A_84 = arith.constant 4 : i32
      %add3A_85 = arith.addi %add3A_84, %mul3A_83 : i32
      "tpu.region"() ({
        %run_scoped3A = tpu.sem_alloc : memref<!tpu.dma_semaphore, #tpu.memory_space<semaphore_mem>>
        %dma_start3A_86 = arith.constant 0 : i32
        %dma_start3A_87 = arith.constant 0 : i32
        %dma_start3A_88 = tpu.memref_slice %arg7[%dma_start3A_86, %dma_start3A_87] : memref<79x128xi32, #tpu.memory_space<vmem>> -> memref<78x128xi32, #tpu.memory_space<vmem>>
        %dma_start3A_89 = arith.constant 0 : i32
        %dma_start3A_90 = tpu.memref_slice %arg4[%add3A_85, %dma_start3A_89] : memref<2500x128xi32, #tpu.memory_space<hbm>> -> memref<78x128xi32, #tpu.memory_space<hbm>>
        %dma_start3A_91 = arith.constant 0 : i32
        %dma_start3A_92 = arith.constant 0 : i32
        %dma_start3A_93 = tpu.memref_slice %arg7[%dma_start3A_91, %dma_start3A_92] : memref<79x128xi32, #tpu.memory_space<vmem>> -> memref<78x128xi32, #tpu.memory_space<vmem>>
        %dma_start3A_94 = arith.constant 0 : i32
        %dma_start3A_95 = tpu.memref_slice %arg4[%add3A_85, %dma_start3A_94] : memref<2500x128xi32, #tpu.memory_space<hbm>> -> memref<78x128xi32, #tpu.memory_space<hbm>>
        tpu.enqueue_dma source(%dma_start3A_95 : memref<78x128xi32, #tpu.memory_space<hbm>>) target(%dma_start3A_93 : memref<78x128xi32, #tpu.memory_space<vmem>>) target_semaphore(%run_scoped3A : memref<!tpu.dma_semaphore, #tpu.memory_space<semaphore_mem>>)
        %dma_wait3A = arith.constant 0 : i32
        %dma_wait3A_96 = arith.constant 0 : i32
        %dma_wait3A_97 = tpu.memref_slice %arg7[%dma_wait3A, %dma_wait3A_96] : memref<79x128xi32, #tpu.memory_space<vmem>> -> memref<78x128xi32, #tpu.memory_space<vmem>>
        %dma_wait3A_98 = arith.constant 0 : i32
        %dma_wait3A_99 = tpu.memref_slice %arg4[%add3A_85, %dma_wait3A_98] : memref<2500x128xi32, #tpu.memory_space<hbm>> -> memref<78x128xi32, #tpu.memory_space<hbm>>
        %dma_wait3A_100 = arith.constant 0 : i32
        %dma_wait3A_101 = arith.constant 0 : i32
        %dma_wait3A_102 = tpu.memref_slice %arg7[%dma_wait3A_100, %dma_wait3A_101] : memref<79x128xi32, #tpu.memory_space<vmem>> -> memref<78x128xi32, #tpu.memory_space<vmem>>
        %dma_wait3A_103 = arith.constant 0 : i32
        %dma_wait3A_104 = tpu.memref_slice %arg4[%add3A_85, %dma_wait3A_103] : memref<2500x128xi32, #tpu.memory_space<hbm>> -> memref<78x128xi32, #tpu.memory_space<hbm>>
        tpu.wait_dma2 semaphore(%run_scoped3A : memref<!tpu.dma_semaphore, #tpu.memory_space<semaphore_mem>>) src(%dma_wait3A_104 : memref<78x128xi32, #tpu.memory_space<hbm>>) dst(%dma_wait3A_102 : memref<78x128xi32, #tpu.memory_space<vmem>>)
        tpu.yield
      }) : () -> ()
    } else {
    }
    %lt3A_32 = arith.constant 4 : i32
    %lt3A_33 = arith.cmpi slt, %add3A_21, %lt3A_32 : i32
    %jit3A_34 = arith.constant 79 : i32
    %jit3A_35 = arith.constant 78 : i32
    %select_n3A_36 = arith.select %lt3A_33, %jit3A_34, %jit3A_35 : i32
    %scan3A = arith.constant 0 : i32
    %scan3A_37 = arith.constant 0 : i32
    %scan3A_38 = arith.constant 640 : i32
    %scan3A_39 = arith.addi %scan3A_37, %scan3A_38 : i32
    %scan3A_40 = arith.constant 1 : i32
    %scan3A_41 = scf.for %scan3A_82 = %scan3A_37 to %scan3A_39 step %scan3A_40 iter_args(%scan3A_83 = %scan3A) -> (i32)  : i32 {
      %broadcast_in_dim3A = arith.constant 0.000000e+00 : f32
      %broadcast_in_dim3A_84 = vector.broadcast %broadcast_in_dim3A : f32 to vector<16xf32>
      %swap3A = arith.index_cast %scan3A_82 : i32 to index
      %swap3A_85 = arith.constant 0 : index
      %swap3A_86 = tpu.vector_load %arg9[%swap3A, %swap3A_85] {strides = array<i32>} : memref<640x16xf32, #tpu.memory_space<vmem>>, vector<1x16xf32>,
      %swap3A_87 = vector.shape_cast %swap3A_86 : vector<1x16xf32> to vector<16xf32>
      %swap3A_88 = vector.shape_cast %broadcast_in_dim3A_84 : vector<16xf32> to vector<1x16xf32>
      tpu.vector_store %arg9[%swap3A, %swap3A_85], %swap3A_88 {strides = array<i32>} : memref<640x16xf32, #tpu.memory_space<vmem>>, vector<1x16xf32>,
      %scan3A_89 = arith.constant 0 : i32
      scf.yield %scan3A_89 : i32
    }
    %scan3A_42 = arith.constant 640 : i32
    %mul3A_43 = arith.constant 640 : i32
    %mul3A_44 = arith.muli %arg1, %mul3A_43 : i32
    "tpu.region"() ({
      %run_scoped3A = tpu.sem_alloc : memref<!tpu.dma_semaphore, #tpu.memory_space<semaphore_mem>>
      %dma_start3A_82 = arith.constant 0 : i32
      %dma_start3A_83 = tpu.memref_slice %arg11[%mul3A_44, %dma_start3A_82] : memref<10240x16xf32, #tpu.memory_space<vmem_shared>> -> memref<640x16xf32, #tpu.memory_space<vmem_shared>>
      %dma_start3A_84 = arith.constant 0 : i32
      %dma_start3A_85 = tpu.memref_slice %arg11[%mul3A_44, %dma_start3A_84] : memref<10240x16xf32, #tpu.memory_space<vmem_shared>> -> memref<640x16xf32, #tpu.memory_space<vmem_shared>>
      tpu.enqueue_dma source(%arg9 : memref<640x16xf32, #tpu.memory_space<vmem>>) target(%dma_start3A_85 : memref<640x16xf32, #tpu.memory_space<vmem_shared>>) target_semaphore(%run_scoped3A : memref<!tpu.dma_semaphore, #tpu.memory_space<semaphore_mem>>)
      %dma_wait3A = arith.constant 0 : i32
      %dma_wait3A_86 = tpu.memref_slice %arg11[%mul3A_44, %dma_wait3A] : memref<10240x16xf32, #tpu.memory_space<vmem_shared>> -> memref<640x16xf32, #tpu.memory_space<vmem_shared>>
      %dma_wait3A_87 = arith.constant 0 : i32
      %dma_wait3A_88 = tpu.memref_slice %arg11[%mul3A_44, %dma_wait3A_87] : memref<10240x16xf32, #tpu.memory_space<vmem_shared>> -> memref<640x16xf32, #tpu.memory_space<vmem_shared>>
      tpu.wait_dma2 semaphore(%run_scoped3A : memref<!tpu.dma_semaphore, #tpu.memory_space<semaphore_mem>>) src(%arg9 : memref<640x16xf32, #tpu.memory_space<vmem>>) dst(%dma_wait3A_88 : memref<640x16xf32, #tpu.memory_space<vmem_shared>>)
      tpu.yield
    }) : () -> ()
    %lt3A_45 = arith.constant 15 : i32
    %lt3A_46 = arith.cmpi slt, %arg1, %lt3A_45 : i32
    %convert_element_type3A_47 = arith.extui %lt3A_46 : i1 to i32
    %cond3A_48 = arith.constant 0 : i32
    %cond3A_49 = arith.cmpi ne, %convert_element_type3A_47, %cond3A_48 : i32
    scf.if %cond3A_49 {
      %mul3A_82 = arith.constant 640 : i32
      %mul3A_83 = arith.muli %arg1, %mul3A_82 : i32
      %dma_wait3A = arith.constant 0 : i32
      %dma_wait3A_84 = tpu.memref_slice %arg2[%mul3A_83, %dma_wait3A] : memref<10000x16xf32, #tpu.memory_space<hbm>> -> memref<640x16xf32, #tpu.memory_space<hbm>>
      %dma_wait3A_85 = arith.constant 0 : i32
      %dma_wait3A_86 = tpu.memref_slice %arg2[%mul3A_83, %dma_wait3A_85] : memref<10000x16xf32, #tpu.memory_space<hbm>> -> memref<640x16xf32, #tpu.memory_space<hbm>>
      tpu.wait_dma2 semaphore(%arg14 : memref<!tpu.dma_semaphore, #tpu.memory_space<semaphore_mem>>) src(%dma_wait3A_86 : memref<640x16xf32, #tpu.memory_space<hbm>>) dst(%arg10 : memref<640x16xf32, #tpu.memory_space<vmem>>)
      %mul3A_87 = arith.constant 640 : i32
      %mul3A_88 = arith.muli %arg1, %mul3A_87 : i32
      "tpu.region"() ({
        %run_scoped3A = tpu.sem_alloc : memref<!tpu.dma_semaphore, #tpu.memory_space<semaphore_mem>>
        %dma_start3A_89 = arith.constant 0 : i32
        %dma_start3A_90 = tpu.memref_slice %arg12[%mul3A_88, %dma_start3A_89] : memref<10240x16xf32, #tpu.memory_space<vmem_shared>> -> memref<640x16xf32, #tpu.memory_space<vmem_shared>>
        %dma_start3A_91 = arith.constant 0 : i32
        %dma_start3A_92 = tpu.memref_slice %arg12[%mul3A_88, %dma_start3A_91] : memref<10240x16xf32, #tpu.memory_space<vmem_shared>> -> memref<640x16xf32, #tpu.memory_space<vmem_shared>>
        tpu.enqueue_dma source(%arg10 : memref<640x16xf32, #tpu.memory_space<vmem>>) target(%dma_start3A_92 : memref<640x16xf32, #tpu.memory_space<vmem_shared>>) target_semaphore(%run_scoped3A : memref<!tpu.dma_semaphore, #tpu.memory_space<semaphore_mem>>)
        %dma_wait3A_93 = arith.constant 0 : i32
        %dma_wait3A_94 = tpu.memref_slice %arg12[%mul3A_88, %dma_wait3A_93] : memref<10240x16xf32, #tpu.memory_space<vmem_shared>> -> memref<640x16xf32, #tpu.memory_space<vmem_shared>>
        %dma_wait3A_95 = arith.constant 0 : i32
        %dma_wait3A_96 = tpu.memref_slice %arg12[%mul3A_88, %dma_wait3A_95] : memref<10240x16xf32, #tpu.memory_space<vmem_shared>> -> memref<640x16xf32, #tpu.memory_space<vmem_shared>>
        tpu.wait_dma2 semaphore(%run_scoped3A : memref<!tpu.dma_semaphore, #tpu.memory_space<semaphore_mem>>) src(%arg10 : memref<640x16xf32, #tpu.memory_space<vmem>>) dst(%dma_wait3A_96 : memref<640x16xf32, #tpu.memory_space<vmem_shared>>)
        tpu.yield
      }) : () -> ()
    } else {
    }
    %eq3A_50 = arith.constant 15 : i32
    %eq3A_51 = arith.cmpi eq, %arg1, %eq3A_50 : i32
    %convert_element_type3A_52 = arith.extui %eq3A_51 : i1 to i32
    %cond3A_53 = arith.constant 0 : i32
    %cond3A_54 = arith.cmpi ne, %convert_element_type3A_52, %cond3A_53 : i32
    scf.if %cond3A_54 {
      %dma_wait3A = arith.constant 0 : i32
      %dma_wait3A_82 = arith.constant 0 : i32
      %dma_wait3A_83 = tpu.memref_slice %arg10[%dma_wait3A, %dma_wait3A_82] : memref<640x16xf32, #tpu.memory_space<vmem>> -> memref<400x16xf32, #tpu.memory_space<vmem>>
      %dma_wait3A_84 = arith.constant 9600 : i32
      %dma_wait3A_85 = arith.constant 0 : i32
      %dma_wait3A_86 = tpu.memref_slice %arg2[%dma_wait3A_84, %dma_wait3A_85] : memref<10000x16xf32, #tpu.memory_space<hbm>> -> memref<400x16xf32, #tpu.memory_space<hbm>>
      %dma_wait3A_87 = arith.constant 0 : i32
      %dma_wait3A_88 = arith.constant 0 : i32
      %dma_wait3A_89 = tpu.memref_slice %arg10[%dma_wait3A_87, %dma_wait3A_88] : memref<640x16xf32, #tpu.memory_space<vmem>> -> memref<400x16xf32, #tpu.memory_space<vmem>>
      %dma_wait3A_90 = arith.constant 9600 : i32
      %dma_wait3A_91 = arith.constant 0 : i32
      %dma_wait3A_92 = tpu.memref_slice %arg2[%dma_wait3A_90, %dma_wait3A_91] : memref<10000x16xf32, #tpu.memory_space<hbm>> -> memref<400x16xf32, #tpu.memory_space<hbm>>
      tpu.wait_dma2 semaphore(%arg14 : memref<!tpu.dma_semaphore, #tpu.memory_space<semaphore_mem>>) src(%dma_wait3A_92 : memref<400x16xf32, #tpu.memory_space<hbm>>) dst(%dma_wait3A_89 : memref<400x16xf32, #tpu.memory_space<vmem>>)
      "tpu.region"() ({
        %run_scoped3A = tpu.sem_alloc : memref<!tpu.dma_semaphore, #tpu.memory_space<semaphore_mem>>
        %dma_start3A_93 = arith.constant 0 : i32
        %dma_start3A_94 = arith.constant 0 : i32
        %dma_start3A_95 = tpu.memref_slice %arg10[%dma_start3A_93, %dma_start3A_94] : memref<640x16xf32, #tpu.memory_space<vmem>> -> memref<400x16xf32, #tpu.memory_space<vmem>>
        %dma_start3A_96 = arith.constant 9600 : i32
        %dma_start3A_97 = arith.constant 0 : i32
        %dma_start3A_98 = tpu.memref_slice %arg12[%dma_start3A_96, %dma_start3A_97] : memref<10240x16xf32, #tpu.memory_space<vmem_shared>> -> memref<400x16xf32, #tpu.memory_space<vmem_shared>>
        %dma_start3A_99 = arith.constant 9600 : i32
        %dma_start3A_100 = arith.constant 0 : i32
        %dma_start3A_101 = tpu.memref_slice %arg12[%dma_start3A_99, %dma_start3A_100] : memref<10240x16xf32, #tpu.memory_space<vmem_shared>> -> memref<400x16xf32, #tpu.memory_space<vmem_shared>>
        %dma_start3A_102 = arith.constant 0 : i32
        %dma_start3A_103 = arith.constant 0 : i32
        %dma_start3A_104 = tpu.memref_slice %arg10[%dma_start3A_102, %dma_start3A_103] : memref<640x16xf32, #tpu.memory_space<vmem>> -> memref<400x16xf32, #tpu.memory_space<vmem>>
        tpu.enqueue_dma source(%dma_start3A_104 : memref<400x16xf32, #tpu.memory_space<vmem>>) target(%dma_start3A_101 : memref<400x16xf32, #tpu.memory_space<vmem_shared>>) target_semaphore(%run_scoped3A : memref<!tpu.dma_semaphore, #tpu.memory_space<semaphore_mem>>)
        %dma_wait3A_105 = arith.constant 0 : i32
        %dma_wait3A_106 = arith.constant 0 : i32
        %dma_wait3A_107 = tpu.memref_slice %arg10[%dma_wait3A_105, %dma_wait3A_106] : memref<640x16xf32, #tpu.memory_space<vmem>> -> memref<400x16xf32, #tpu.memory_space<vmem>>
        %dma_wait3A_108 = arith.constant 9600 : i32
        %dma_wait3A_109 = arith.constant 0 : i32
        %dma_wait3A_110 = tpu.memref_slice %arg12[%dma_wait3A_108, %dma_wait3A_109] : memref<10240x16xf32, #tpu.memory_space<vmem_shared>> -> memref<400x16xf32, #tpu.memory_space<vmem_shared>>
        %dma_wait3A_111 = arith.constant 9600 : i32
        %dma_wait3A_112 = arith.constant 0 : i32
        %dma_wait3A_113 = tpu.memref_slice %arg12[%dma_wait3A_111, %dma_wait3A_112] : memref<10240x16xf32, #tpu.memory_space<vmem_shared>> -> memref<400x16xf32, #tpu.memory_space<vmem_shared>>
        %dma_wait3A_114 = arith.constant 0 : i32
        %dma_wait3A_115 = arith.constant 0 : i32
        %dma_wait3A_116 = tpu.memref_slice %arg10[%dma_wait3A_114, %dma_wait3A_115] : memref<640x16xf32, #tpu.memory_space<vmem>> -> memref<400x16xf32, #tpu.memory_space<vmem>>
        tpu.wait_dma2 semaphore(%run_scoped3A : memref<!tpu.dma_semaphore, #tpu.memory_space<semaphore_mem>>) src(%dma_wait3A_116 : memref<400x16xf32, #tpu.memory_space<vmem>>) dst(%dma_wait3A_113 : memref<400x16xf32, #tpu.memory_space<vmem_shared>>)
        tpu.yield
      }) : () -> ()
    } else {
    }
    %barrier3A = arith.constant 0 : index
    tpu.barrier barrier_id(%barrier3A)
    %dma_start3A = arith.constant 0 : i32
    %dma_start3A_55 = arith.constant 0 : i32
    %dma_start3A_56 = arith.constant 0 : i32
    %dma_start3A_57 = arith.constant 0 : i32
    %dma_start3A_58 = tpu.memref_slice %arg8[%dma_start3A_55, %dma_start3A_56, %dma_start3A_57] : memref<2x128x16xf32, #tpu.memory_space<vmem>> -> memref<1x128x16xf32, #tpu.memory_space<vmem>>
    %dma_start3A_59 = tpu.memref_squeeze %dma_start3A_58 : memref<1x128x16xf32, #tpu.memory_space<vmem>> -> memref<128x16xf32, #tpu.memory_space<vmem>>
    %dma_start3A_60 = arith.constant 0 : i32
    %dma_start3A_61 = tpu.memref_slice %arg6[%dma_start3A, %dma_start3A_60] : memref<79x128xi32, #tpu.memory_space<vmem>> -> memref<1x128xi32, #tpu.memory_space<vmem>>
    %dma_start3A_62 = tpu.memref_squeeze %dma_start3A_61 : memref<1x128xi32, #tpu.memory_space<vmem>> -> memref<128xi32, #tpu.memory_space<vmem>>
    %dma_start3A_63 = arith.constant 0 : i32
    %dma_start3A_64 = arith.constant 0 : i32
    %dma_start3A_65 = tpu.memref_slice %arg12[%dma_start3A_63, %dma_start3A_64] : memref<10240x16xf32, #tpu.memory_space<vmem_shared>> -> memref<10240x16xf32, #tpu.memory_space<vmem_shared>>
    tpu.enqueue_indirect_dma source(%dma_start3A_65 : memref<10240x16xf32, #tpu.memory_space<vmem_shared>>) target(%dma_start3A_59 : memref<128x16xf32, #tpu.memory_space<vmem>>) offsets(%dma_start3A_62 : memref<128xi32, #tpu.memory_space<vmem>>) semaphore(%arg13 : memref<!tpu.dma_semaphore, #tpu.memory_space<semaphore_mem>>)
    %while3A = arith.constant 0 : i32
    %while3A_66 = arith.constant 0 : i32
    %while3A_67 = arith.subi %select_n3A, %while3A : i32
    %while3A_68 = arith.addi %while3A, %while3A_67 : i32
    %while3A_69 = arith.constant 1 : i32
    %while3A_70 = arith.divsi %while3A_67, %while3A_69 : i32
    %while3A_71 = arith.muli %while3A_70, %while3A_69 : i32
    %while3A_72 = arith.addi %while3A, %while3A_71 : i32
    %while3A_73 = arith.constant 1 : i32
    %while3A_74 = scf.for %while3A_82 = %while3A to %while3A_72 step %while3A_73 iter_args(%while3A_83 = %while3A_66) -> (i32)  : i32 {
      %rem3A = arith.constant 2 : i32
      %rem3A_84 = arith.remsi %while3A_82, %rem3A : i32
      %dma_wait3A = arith.constant 0 : i32
      %dma_wait3A_85 = arith.constant 0 : i32
      %dma_wait3A_86 = tpu.memref_slice %arg8[%rem3A_84, %dma_wait3A, %dma_wait3A_85] : memref<2x128x16xf32, #tpu.memory_space<vmem>> -> memref<1x128x16xf32, #tpu.memory_space<vmem>>
      %dma_wait3A_87 = tpu.memref_squeeze %dma_wait3A_86 : memref<1x128x16xf32, #tpu.memory_space<vmem>> -> memref<128x16xf32, #tpu.memory_space<vmem>>
      %dma_wait3A_88 = arith.constant 0 : i32
      %dma_wait3A_89 = arith.constant 0 : i32
      %dma_wait3A_90 = tpu.memref_slice %arg2[%dma_wait3A_88, %dma_wait3A_89] : memref<10000x16xf32, #tpu.memory_space<hbm>> -> memref<128x16xf32, #tpu.memory_space<hbm>>
      %dma_wait3A_91 = arith.constant 0 : i32
      %dma_wait3A_92 = arith.constant 0 : i32
      %dma_wait3A_93 = tpu.memref_slice %arg8[%rem3A_84, %dma_wait3A_91, %dma_wait3A_92] : memref<2x128x16xf32, #tpu.memory_space<vmem>> -> memref<1x128x16xf32, #tpu.memory_space<vmem>>
      %dma_wait3A_94 = tpu.memref_squeeze %dma_wait3A_93 : memref<1x128x16xf32, #tpu.memory_space<vmem>> -> memref<128x16xf32, #tpu.memory_space<vmem>>
      %dma_wait3A_95 = arith.constant 0 : i32
      %dma_wait3A_96 = arith.constant 0 : i32
      %dma_wait3A_97 = tpu.memref_slice %arg2[%dma_wait3A_95, %dma_wait3A_96] : memref<10000x16xf32, #tpu.memory_space<hbm>> -> memref<128x16xf32, #tpu.memory_space<hbm>>
      tpu.wait_dma2 semaphore(%arg13 : memref<!tpu.dma_semaphore, #tpu.memory_space<semaphore_mem>>) src(%dma_wait3A_97 : memref<128x16xf32, #tpu.memory_space<hbm>>) dst(%dma_wait3A_94 : memref<128x16xf32, #tpu.memory_space<vmem>>)
      %add3A_98 = arith.constant 1 : i32
      %add3A_99 = arith.addi %while3A_82, %add3A_98 : i32
      %lt3A_100 = arith.cmpi slt, %add3A_99, %select_n3A : i32
      %convert_element_type3A_101 = arith.extui %lt3A_100 : i1 to i32
      %cond3A_102 = arith.constant 0 : i32
      %cond3A_103 = arith.cmpi ne, %convert_element_type3A_101, %cond3A_102 : i32
      scf.if %cond3A_103 {
        %add3A_105 = arith.constant 1 : i32
        %add3A_106 = arith.addi %while3A_82, %add3A_105 : i32
        %sub3A = arith.constant 1 : i32
        %sub3A_107 = arith.subi %sub3A, %rem3A_84 : i32
        %dma_start3A_108 = arith.constant 0 : i32
        %dma_start3A_109 = arith.constant 0 : i32
        %dma_start3A_110 = tpu.memref_slice %arg8[%sub3A_107, %dma_start3A_108, %dma_start3A_109] : memref<2x128x16xf32, #tpu.memory_space<vmem>> -> memref<1x128x16xf32, #tpu.memory_space<vmem>>
        %dma_start3A_111 = tpu.memref_squeeze %dma_start3A_110 : memref<1x128x16xf32, #tpu.memory_space<vmem>> -> memref<128x16xf32, #tpu.memory_space<vmem>>
        %dma_start3A_112 = arith.constant 0 : i32
        %dma_start3A_113 = tpu.memref_slice %arg6[%add3A_106, %dma_start3A_112] : memref<79x128xi32, #tpu.memory_space<vmem>> -> memref<1x128xi32, #tpu.memory_space<vmem>>
        %dma_start3A_114 = tpu.memref_squeeze %dma_start3A_113 : memref<1x128xi32, #tpu.memory_space<vmem>> -> memref<128xi32, #tpu.memory_space<vmem>>
        %dma_start3A_115 = arith.constant 0 : i32
        %dma_start3A_116 = arith.constant 0 : i32
        %dma_start3A_117 = tpu.memref_slice %arg12[%dma_start3A_115, %dma_start3A_116] : memref<10240x16xf32, #tpu.memory_space<vmem_shared>> -> memref<10240x16xf32, #tpu.memory_space<vmem_shared>>
        tpu.enqueue_indirect_dma source(%dma_start3A_117 : memref<10240x16xf32, #tpu.memory_space<vmem_shared>>) target(%dma_start3A_111 : memref<128x16xf32, #tpu.memory_space<vmem>>) offsets(%dma_start3A_114 : memref<128xi32, #tpu.memory_space<vmem>>) semaphore(%arg13 : memref<!tpu.dma_semaphore, #tpu.memory_space<semaphore_mem>>)
      } else {
      }
      "tpu.region"() ({
        %run_scoped3A = tpu.sem_alloc : memref<!tpu.dma_semaphore, #tpu.memory_space<semaphore_mem>>
        %dma_start3A_105 = arith.constant 0 : i32
        %dma_start3A_106 = arith.constant 0 : i32
        %dma_start3A_107 = tpu.memref_slice %arg8[%rem3A_84, %dma_start3A_105, %dma_start3A_106] : memref<2x128x16xf32, #tpu.memory_space<vmem>> -> memref<1x128x16xf32, #tpu.memory_space<vmem>>
        %dma_start3A_108 = tpu.memref_squeeze %dma_start3A_107 : memref<1x128x16xf32, #tpu.memory_space<vmem>> -> memref<128x16xf32, #tpu.memory_space<vmem>>
        %dma_start3A_109 = arith.constant 0 : i32
        %dma_start3A_110 = tpu.memref_slice %arg7[%while3A_82, %dma_start3A_109] : memref<79x128xi32, #tpu.memory_space<vmem>> -> memref<1x128xi32, #tpu.memory_space<vmem>>
        %dma_start3A_111 = tpu.memref_squeeze %dma_start3A_110 : memref<1x128xi32, #tpu.memory_space<vmem>> -> memref<128xi32, #tpu.memory_space<vmem>>
        %dma_start3A_112 = arith.constant 0 : i32
        %dma_start3A_113 = arith.constant 0 : i32
        %dma_start3A_114 = tpu.memref_slice %arg11[%dma_start3A_112, %dma_start3A_113] : memref<10240x16xf32, #tpu.memory_space<vmem_shared>> -> memref<10240x16xf32, #tpu.memory_space<vmem_shared>>
        tpu.enqueue_indirect_dma source(%dma_start3A_108 : memref<128x16xf32, #tpu.memory_space<vmem>>) target(%dma_start3A_114 : memref<10240x16xf32, #tpu.memory_space<vmem_shared>>) offsets(%dma_start3A_111 : memref<128xi32, #tpu.memory_space<vmem>>) semaphore(%run_scoped3A : memref<!tpu.dma_semaphore, #tpu.memory_space<semaphore_mem>>) {add = true}
        %dma_wait3A_115 = arith.constant 0 : i32
        %dma_wait3A_116 = arith.constant 0 : i32
        %dma_wait3A_117 = tpu.memref_slice %arg8[%rem3A_84, %dma_wait3A_115, %dma_wait3A_116] : memref<2x128x16xf32, #tpu.memory_space<vmem>> -> memref<1x128x16xf32, #tpu.memory_space<vmem>>
        %dma_wait3A_118 = tpu.memref_squeeze %dma_wait3A_117 : memref<1x128x16xf32, #tpu.memory_space<vmem>> -> memref<128x16xf32, #tpu.memory_space<vmem>>
        %dma_wait3A_119 = arith.constant 0 : i32
        %dma_wait3A_120 = tpu.memref_slice %arg7[%while3A_82, %dma_wait3A_119] : memref<79x128xi32, #tpu.memory_space<vmem>> -> memref<1x128xi32, #tpu.memory_space<vmem>>
        %dma_wait3A_121 = tpu.memref_squeeze %dma_wait3A_120 : memref<1x128xi32, #tpu.memory_space<vmem>> -> memref<128xi32, #tpu.memory_space<vmem>>
        %dma_wait3A_122 = arith.constant 0 : i32
        %dma_wait3A_123 = arith.constant 0 : i32
        %dma_wait3A_124 = tpu.memref_slice %arg11[%dma_wait3A_122, %dma_wait3A_123] : memref<10240x16xf32, #tpu.memory_space<vmem_shared>> -> memref<10240x16xf32, #tpu.memory_space<vmem_shared>>
        tpu.wait_indirect_dma semaphore(%run_scoped3A : memref<!tpu.dma_semaphore, #tpu.memory_space<semaphore_mem>>) src(%dma_wait3A_118 : memref<128x16xf32, #tpu.memory_space<vmem>>) dst(%dma_wait3A_124 : memref<10240x16xf32, #tpu.memory_space<vmem_shared>>)
        tpu.yield
      }) : () -> ()
      %while3A_104 = arith.constant 0 : i32
      scf.yield %while3A_104 : i32
    }
    %while3A_75 = arith.constant 1 : i32
    %while3A_76 = scf.for %while3A_82 = %while3A_72 to %while3A_68 step %while3A_75 iter_args(%while3A_83 = %while3A_74) -> (i32)  : i32 {
      %rem3A = arith.constant 2 : i32
      %rem3A_84 = arith.remsi %while3A_82, %rem3A : i32
      %dma_wait3A = arith.constant 0 : i32
      %dma_wait3A_85 = arith.constant 0 : i32
      %dma_wait3A_86 = tpu.memref_slice %arg8[%rem3A_84, %dma_wait3A, %dma_wait3A_85] : memref<2x128x16xf32, #tpu.memory_space<vmem>> -> memref<1x128x16xf32, #tpu.memory_space<vmem>>
      %dma_wait3A_87 = tpu.memref_squeeze %dma_wait3A_86 : memref<1x128x16xf32, #tpu.memory_space<vmem>> -> memref<128x16xf32, #tpu.memory_space<vmem>>
      %dma_wait3A_88 = arith.constant 0 : i32
      %dma_wait3A_89 = arith.constant 0 : i32
      %dma_wait3A_90 = tpu.memref_slice %arg2[%dma_wait3A_88, %dma_wait3A_89] : memref<10000x16xf32, #tpu.memory_space<hbm>> -> memref<128x16xf32, #tpu.memory_space<hbm>>
      %dma_wait3A_91 = arith.constant 0 : i32
      %dma_wait3A_92 = arith.constant 0 : i32
      %dma_wait3A_93 = tpu.memref_slice %arg8[%rem3A_84, %dma_wait3A_91, %dma_wait3A_92] : memref<2x128x16xf32, #tpu.memory_space<vmem>> -> memref<1x128x16xf32, #tpu.memory_space<vmem>>
      %dma_wait3A_94 = tpu.memref_squeeze %dma_wait3A_93 : memref<1x128x16xf32, #tpu.memory_space<vmem>> -> memref<128x16xf32, #tpu.memory_space<vmem>>
      %dma_wait3A_95 = arith.constant 0 : i32
      %dma_wait3A_96 = arith.constant 0 : i32
      %dma_wait3A_97 = tpu.memref_slice %arg2[%dma_wait3A_95, %dma_wait3A_96] : memref<10000x16xf32, #tpu.memory_space<hbm>> -> memref<128x16xf32, #tpu.memory_space<hbm>>
      tpu.wait_dma2 semaphore(%arg13 : memref<!tpu.dma_semaphore, #tpu.memory_space<semaphore_mem>>) src(%dma_wait3A_97 : memref<128x16xf32, #tpu.memory_space<hbm>>) dst(%dma_wait3A_94 : memref<128x16xf32, #tpu.memory_space<vmem>>)
      %add3A_98 = arith.constant 1 : i32
      %add3A_99 = arith.addi %while3A_82, %add3A_98 : i32
      %lt3A_100 = arith.cmpi slt, %add3A_99, %select_n3A : i32
      %convert_element_type3A_101 = arith.extui %lt3A_100 : i1 to i32
      %cond3A_102 = arith.constant 0 : i32
      %cond3A_103 = arith.cmpi ne, %convert_element_type3A_101, %cond3A_102 : i32
      scf.if %cond3A_103 {
        %add3A_105 = arith.constant 1 : i32
        %add3A_106 = arith.addi %while3A_82, %add3A_105 : i32
        %sub3A = arith.constant 1 : i32
        %sub3A_107 = arith.subi %sub3A, %rem3A_84 : i32
        %dma_start3A_108 = arith.constant 0 : i32
        %dma_start3A_109 = arith.constant 0 : i32
        %dma_start3A_110 = tpu.memref_slice %arg8[%sub3A_107, %dma_start3A_108, %dma_start3A_109] : memref<2x128x16xf32, #tpu.memory_space<vmem>> -> memref<1x128x16xf32, #tpu.memory_space<vmem>>
        %dma_start3A_111 = tpu.memref_squeeze %dma_start3A_110 : memref<1x128x16xf32, #tpu.memory_space<vmem>> -> memref<128x16xf32, #tpu.memory_space<vmem>>
        %dma_start3A_112 = arith.constant 0 : i32
        %dma_start3A_113 = tpu.memref_slice %arg6[%add3A_106, %dma_start3A_112] : memref<79x128xi32, #tpu.memory_space<vmem>> -> memref<1x128xi32, #tpu.memory_space<vmem>>
        %dma_start3A_114 = tpu.memref_squeeze %dma_start3A_113 : memref<1x128xi32, #tpu.memory_space<vmem>> -> memref<128xi32, #tpu.memory_space<vmem>>
        %dma_start3A_115 = arith.constant 0 : i32
        %dma_start3A_116 = arith.constant 0 : i32
        %dma_start3A_117 = tpu.memref_slice %arg12[%dma_start3A_115, %dma_start3A_116] : memref<10240x16xf32, #tpu.memory_space<vmem_shared>> -> memref<10240x16xf32, #tpu.memory_space<vmem_shared>>
        tpu.enqueue_indirect_dma source(%dma_start3A_117 : memref<10240x16xf32, #tpu.memory_space<vmem_shared>>) target(%dma_start3A_111 : memref<128x16xf32, #tpu.memory_space<vmem>>) offsets(%dma_start3A_114 : memref<128xi32, #tpu.memory_space<vmem>>) semaphore(%arg13 : memref<!tpu.dma_semaphore, #tpu.memory_space<semaphore_mem>>)
      } else {
      }
      "tpu.region"() ({
        %run_scoped3A = tpu.sem_alloc : memref<!tpu.dma_semaphore, #tpu.memory_space<semaphore_mem>>
        %dma_start3A_105 = arith.constant 0 : i32
        %dma_start3A_106 = arith.constant 0 : i32
        %dma_start3A_107 = tpu.memref_slice %arg8[%rem3A_84, %dma_start3A_105, %dma_start3A_106] : memref<2x128x16xf32, #tpu.memory_space<vmem>> -> memref<1x128x16xf32, #tpu.memory_space<vmem>>
        %dma_start3A_108 = tpu.memref_squeeze %dma_start3A_107 : memref<1x128x16xf32, #tpu.memory_space<vmem>> -> memref<128x16xf32, #tpu.memory_space<vmem>>
        %dma_start3A_109 = arith.constant 0 : i32
        %dma_start3A_110 = tpu.memref_slice %arg7[%while3A_82, %dma_start3A_109] : memref<79x128xi32, #tpu.memory_space<vmem>> -> memref<1x128xi32, #tpu.memory_space<vmem>>
        %dma_start3A_111 = tpu.memref_squeeze %dma_start3A_110 : memref<1x128xi32, #tpu.memory_space<vmem>> -> memref<128xi32, #tpu.memory_space<vmem>>
        %dma_start3A_112 = arith.constant 0 : i32
        %dma_start3A_113 = arith.constant 0 : i32
        %dma_start3A_114 = tpu.memref_slice %arg11[%dma_start3A_112, %dma_start3A_113] : memref<10240x16xf32, #tpu.memory_space<vmem_shared>> -> memref<10240x16xf32, #tpu.memory_space<vmem_shared>>
        tpu.enqueue_indirect_dma source(%dma_start3A_108 : memref<128x16xf32, #tpu.memory_space<vmem>>) target(%dma_start3A_114 : memref<10240x16xf32, #tpu.memory_space<vmem_shared>>) offsets(%dma_start3A_111 : memref<128xi32, #tpu.memory_space<vmem>>) semaphore(%run_scoped3A : memref<!tpu.dma_semaphore, #tpu.memory_space<semaphore_mem>>) {add = true}
        %dma_wait3A_115 = arith.constant 0 : i32
        %dma_wait3A_116 = arith.constant 0 : i32
        %dma_wait3A_117 = tpu.memref_slice %arg8[%rem3A_84, %dma_wait3A_115, %dma_wait3A_116] : memref<2x128x16xf32, #tpu.memory_space<vmem>> -> memref<1x128x16xf32, #tpu.memory_space<vmem>>
        %dma_wait3A_118 = tpu.memref_squeeze %dma_wait3A_117 : memref<1x128x16xf32, #tpu.memory_space<vmem>> -> memref<128x16xf32, #tpu.memory_space<vmem>>
        %dma_wait3A_119 = arith.constant 0 : i32
        %dma_wait3A_120 = tpu.memref_slice %arg7[%while3A_82, %dma_wait3A_119] : memref<79x128xi32, #tpu.memory_space<vmem>> -> memref<1x128xi32, #tpu.memory_space<vmem>>
        %dma_wait3A_121 = tpu.memref_squeeze %dma_wait3A_120 : memref<1x128xi32, #tpu.memory_space<vmem>> -> memref<128xi32, #tpu.memory_space<vmem>>
        %dma_wait3A_122 = arith.constant 0 : i32
        %dma_wait3A_123 = arith.constant 0 : i32
        %dma_wait3A_124 = tpu.memref_slice %arg11[%dma_wait3A_122, %dma_wait3A_123] : memref<10240x16xf32, #tpu.memory_space<vmem_shared>> -> memref<10240x16xf32, #tpu.memory_space<vmem_shared>>
        tpu.wait_indirect_dma semaphore(%run_scoped3A : memref<!tpu.dma_semaphore, #tpu.memory_space<semaphore_mem>>) src(%dma_wait3A_118 : memref<128x16xf32, #tpu.memory_space<vmem>>) dst(%dma_wait3A_124 : memref<10240x16xf32, #tpu.memory_space<vmem_shared>>)
        tpu.yield
      }) : () -> ()
      %while3A_104 = arith.constant 0 : i32
      scf.yield %while3A_104 : i32
    }
    %barrier3A_77 = arith.constant 0 : index
    tpu.barrier barrier_id(%barrier3A_77)
    %mul3A_78 = arith.constant 640 : i32
    %mul3A_79 = arith.muli %arg1, %mul3A_78 : i32
    "tpu.region"() ({
      %run_scoped3A = tpu.sem_alloc : memref<!tpu.dma_semaphore, #tpu.memory_space<semaphore_mem>>
      %dma_start3A_82 = arith.constant 0 : i32
      %dma_start3A_83 = tpu.memref_slice %arg11[%mul3A_79, %dma_start3A_82] : memref<10240x16xf32, #tpu.memory_space<vmem_shared>> -> memref<640x16xf32, #tpu.memory_space<vmem_shared>>
      %dma_start3A_84 = arith.constant 0 : i32
      %dma_start3A_85 = tpu.memref_slice %arg11[%mul3A_79, %dma_start3A_84] : memref<10240x16xf32, #tpu.memory_space<vmem_shared>> -> memref<640x16xf32, #tpu.memory_space<vmem_shared>>
      tpu.enqueue_dma source(%dma_start3A_85 : memref<640x16xf32, #tpu.memory_space<vmem_shared>>) target(%arg9 : memref<640x16xf32, #tpu.memory_space<vmem>>) target_semaphore(%run_scoped3A : memref<!tpu.dma_semaphore, #tpu.memory_space<semaphore_mem>>)
      %dma_wait3A = arith.constant 0 : i32
      %dma_wait3A_86 = tpu.memref_slice %arg11[%mul3A_79, %dma_wait3A] : memref<10240x16xf32, #tpu.memory_space<vmem_shared>> -> memref<640x16xf32, #tpu.memory_space<vmem_shared>>
      %dma_wait3A_87 = arith.constant 0 : i32
      %dma_wait3A_88 = tpu.memref_slice %arg11[%mul3A_79, %dma_wait3A_87] : memref<10240x16xf32, #tpu.memory_space<vmem_shared>> -> memref<640x16xf32, #tpu.memory_space<vmem_shared>>
      tpu.wait_dma2 semaphore(%run_scoped3A : memref<!tpu.dma_semaphore, #tpu.memory_space<semaphore_mem>>) src(%dma_wait3A_88 : memref<640x16xf32, #tpu.memory_space<vmem_shared>>) dst(%arg9 : memref<640x16xf32, #tpu.memory_space<vmem>>)
      tpu.yield
    }) : () -> ()
    %mul3A_80 = arith.constant 640 : i32
    %mul3A_81 = arith.muli %arg1, %mul3A_80 : i32
    "tpu.region"() ({
      %run_scoped3A = tpu.sem_alloc : memref<!tpu.dma_semaphore, #tpu.memory_space<semaphore_mem>>
      %dma_start3A_82 = arith.constant 0 : i32
      %dma_start3A_83 = tpu.memref_slice %arg5[%arg0, %mul3A_81, %dma_start3A_82] : memref<2x10240x16xf32, #tpu.memory_space<hbm>> -> memref<1x640x16xf32, #tpu.memory_space<hbm>>
      %dma_start3A_84 = tpu.memref_squeeze %dma_start3A_83 : memref<1x640x16xf32, #tpu.memory_space<hbm>> -> memref<640x16xf32, #tpu.memory_space<hbm>>
      %dma_start3A_85 = arith.constant 0 : i32
      %dma_start3A_86 = tpu.memref_slice %arg5[%arg0, %mul3A_81, %dma_start3A_85] : memref<2x10240x16xf32, #tpu.memory_space<hbm>> -> memref<1x640x16xf32, #tpu.memory_space<hbm>>
      %dma_start3A_87 = tpu.memref_squeeze %dma_start3A_86 : memref<1x640x16xf32, #tpu.memory_space<hbm>> -> memref<640x16xf32, #tpu.memory_space<hbm>>
      tpu.enqueue_dma source(%arg9 : memref<640x16xf32, #tpu.memory_space<vmem>>) target(%dma_start3A_87 : memref<640x16xf32, #tpu.memory_space<hbm>>) target_semaphore(%run_scoped3A : memref<!tpu.dma_semaphore, #tpu.memory_space<semaphore_mem>>)
      %dma_wait3A = arith.constant 0 : i32
      %dma_wait3A_88 = tpu.memref_slice %arg5[%arg0, %mul3A_81, %dma_wait3A] : memref<2x10240x16xf32, #tpu.memory_space<hbm>> -> memref<1x640x16xf32, #tpu.memory_space<hbm>>
      %dma_wait3A_89 = tpu.memref_squeeze %dma_wait3A_88 : memref<1x640x16xf32, #tpu.memory_space<hbm>> -> memref<640x16xf32, #tpu.memory_space<hbm>>
      %dma_wait3A_90 = arith.constant 0 : i32
      %dma_wait3A_91 = tpu.memref_slice %arg5[%arg0, %mul3A_81, %dma_wait3A_90] : memref<2x10240x16xf32, #tpu.memory_space<hbm>> -> memref<1x640x16xf32, #tpu.memory_space<hbm>>
      %dma_wait3A_92 = tpu.memref_squeeze %dma_wait3A_91 : memref<1x640x16xf32, #tpu.memory_space<hbm>> -> memref<640x16xf32, #tpu.memory_space<hbm>>
      tpu.wait_dma2 semaphore(%run_scoped3A : memref<!tpu.dma_semaphore, #tpu.memory_space<semaphore_mem>>) src(%arg9 : memref<640x16xf32, #tpu.memory_space<vmem>>) dst(%dma_wait3A_92 : memref<640x16xf32, #tpu.memory_space<hbm>>)
      tpu.yield
    }) : () -> ()
    return
  }
}

#map = affine_map<(d0, d1) -> (0, 0)>
#map1 = affine_map<(d0, d1) -> (0, 0, 0)>
module attributes {stable_mosaic.version = 14 : i64} {
  func.func @sc_aggregate(%arg0: i32, %arg1: i32, %arg2: memref<10000x16xf32, #tpu.memory_space<hbm>>, %arg3: memref<2500x128xi32, #tpu.memory_space<hbm>>, %arg4: memref<2500x128xi32, #tpu.memory_space<hbm>>, %arg5: memref<2x10240x16xf32, #tpu.memory_space<hbm>>, %arg6: memref<79x128xi32, #tpu.memory_space<vmem>>, %arg7: memref<79x128xi32, #tpu.memory_space<vmem>>, %arg8: memref<2x128x16xf32, #tpu.memory_space<vmem>>, %arg9: memref<640x16xf32, #tpu.memory_space<vmem>>, %arg10: memref<640x16xf32, #tpu.memory_space<vmem>>, %arg11: memref<10240x16xf32, #tpu.memory_space<vmem_shared>>, %arg12: memref<10240x16xf32, #tpu.memory_space<vmem_shared>>, %arg13: memref<!tpu.dma_semaphore, #tpu.memory_space<semaphore_mem>>, %arg14: memref<!tpu.dma_semaphore, #tpu.memory_space<semaphore_mem>>) attributes {dimension_semantics = [#tpu.dimension_semantics<core_parallel>, #tpu.dimension_semantics<subcore_parallel>], iteration_bounds = array<i64: 2, 16>, scalar_prefetch = 0 : i64, scratch_operands = 9 : i64, tpu.core_type = #tpu.core_type<sc_vector_subcore>, window_params = [{transform_indices = #map}, {transform_indices = #map}, {transform_indices = #map}, {transform_indices = #map1}]} {
    %lt3A = arith.constant 15 : i32
    %lt3A_0 = arith.cmpi slt, %arg1, %lt3A : i32
    %convert_element_type3A = arith.extui %lt3A_0 : i1 to i32
    %cond3A = arith.constant 0 : i32
    %cond3A_1 = arith.cmpi ne, %convert_element_type3A, %cond3A : i32
    scf.if %cond3A_1 {
      %mul3A_82 = arith.constant 640 : i32
      %mul3A_83 = arith.muli %arg1, %mul3A_82 : i32
      %dma_start3A_84 = arith.constant 0 : i32
      %dma_start3A_85 = tpu.memref_slice %arg2[%mul3A_83, %dma_start3A_84] : memref<10000x16xf32, #tpu.memory_space<hbm>> -> memref<640x16xf32, #tpu.memory_space<hbm>>
      %dma_start3A_86 = arith.constant 0 : i32
      %dma_start3A_87 = tpu.memref_slice %arg2[%mul3A_83, %dma_start3A_86] : memref<10000x16xf32, #tpu.memory_space<hbm>> -> memref<640x16xf32, #tpu.memory_space<hbm>>
      tpu.enqueue_dma source(%dma_start3A_87 : memref<640x16xf32, #tpu.memory_space<hbm>>) target(%arg10 : memref<640x16xf32, #tpu.memory_space<vmem>>) target_semaphore(%arg14 : memref<!tpu.dma_semaphore, #tpu.memory_space<semaphore_mem>>)
    } else {
    }
    %eq3A = arith.constant 15 : i32
    %eq3A_2 = arith.cmpi eq, %arg1, %eq3A : i32
    %convert_element_type3A_3 = arith.extui %eq3A_2 : i1 to i32
    %cond3A_4 = arith.constant 0 : i32
    %cond3A_5 = arith.cmpi ne, %convert_element_type3A_3, %cond3A_4 : i32
    scf.if %cond3A_5 {
      %dma_start3A_82 = arith.constant 0 : i32
      %dma_start3A_83 = arith.constant 0 : i32
      %dma_start3A_84 = tpu.memref_slice %arg10[%dma_start3A_82, %dma_start3A_83] : memref<640x16xf32, #tpu.memory_space<vmem>> -> memref<400x16xf32, #tpu.memory_space<vmem>>
      %dma_start3A_85 = arith.constant 9600 : i32
      %dma_start3A_86 = arith.constant 0 : i32
      %dma_start3A_87 = tpu.memref_slice %arg2[%dma_start3A_85, %dma_start3A_86] : memref<10000x16xf32, #tpu.memory_space<hbm>> -> memref<400x16xf32, #tpu.memory_space<hbm>>
      %dma_start3A_88 = arith.constant 0 : i32
      %dma_start3A_89 = arith.constant 0 : i32
      %dma_start3A_90 = tpu.memref_slice %arg10[%dma_start3A_88, %dma_start3A_89] : memref<640x16xf32, #tpu.memory_space<vmem>> -> memref<400x16xf32, #tpu.memory_space<vmem>>
      %dma_start3A_91 = arith.constant 9600 : i32
      %dma_start3A_92 = arith.constant 0 : i32
      %dma_start3A_93 = tpu.memref_slice %arg2[%dma_start3A_91, %dma_start3A_92] : memref<10000x16xf32, #tpu.memory_space<hbm>> -> memref<400x16xf32, #tpu.memory_space<hbm>>
      tpu.enqueue_dma source(%dma_start3A_93 : memref<400x16xf32, #tpu.memory_space<hbm>>) target(%dma_start3A_90 : memref<400x16xf32, #tpu.memory_space<vmem>>) target_semaphore(%arg14 : memref<!tpu.dma_semaphore, #tpu.memory_space<semaphore_mem>>)
    } else {
    }
    %mul3A = arith.constant 16 : i32
    %mul3A_6 = arith.muli %arg0, %mul3A : i32
    %add3A = arith.addi %mul3A_6, %arg1 : i32
    %lt3A_7 = arith.constant 4 : i32
    %lt3A_8 = arith.cmpi slt, %add3A, %lt3A_7 : i32
    %convert_element_type3A_9 = arith.extui %lt3A_8 : i1 to i32
    %cond3A_10 = arith.constant 0 : i32
    %cond3A_11 = arith.cmpi ne, %convert_element_type3A_9, %cond3A_10 : i32
    scf.if %cond3A_11 {
      %mul3A_82 = arith.constant 79 : i32
      %mul3A_83 = arith.muli %add3A, %mul3A_82 : i32
      "tpu.region"() ({
        %run_scoped3A = tpu.sem_alloc : memref<!tpu.dma_semaphore, #tpu.memory_space<semaphore_mem>>
        %dma_start3A_84 = arith.constant 0 : i32
        %dma_start3A_85 = tpu.memref_slice %arg3[%mul3A_83, %dma_start3A_84] : memref<2500x128xi32, #tpu.memory_space<hbm>> -> memref<79x128xi32, #tpu.memory_space<hbm>>
        %dma_start3A_86 = arith.constant 0 : i32
        %dma_start3A_87 = tpu.memref_slice %arg3[%mul3A_83, %dma_start3A_86] : memref<2500x128xi32, #tpu.memory_space<hbm>> -> memref<79x128xi32, #tpu.memory_space<hbm>>
        tpu.enqueue_dma source(%dma_start3A_87 : memref<79x128xi32, #tpu.memory_space<hbm>>) target(%arg6 : memref<79x128xi32, #tpu.memory_space<vmem>>) target_semaphore(%run_scoped3A : memref<!tpu.dma_semaphore, #tpu.memory_space<semaphore_mem>>)
        %dma_wait3A = arith.constant 0 : i32
        %dma_wait3A_88 = tpu.memref_slice %arg3[%mul3A_83, %dma_wait3A] : memref<2500x128xi32, #tpu.memory_space<hbm>> -> memref<79x128xi32, #tpu.memory_space<hbm>>
        %dma_wait3A_89 = arith.constant 0 : i32
        %dma_wait3A_90 = tpu.memref_slice %arg3[%mul3A_83, %dma_wait3A_89] : memref<2500x128xi32, #tpu.memory_space<hbm>> -> memref<79x128xi32, #tpu.memory_space<hbm>>
        tpu.wait_dma2 semaphore(%run_scoped3A : memref<!tpu.dma_semaphore, #tpu.memory_space<semaphore_mem>>) src(%dma_wait3A_90 : memref<79x128xi32, #tpu.memory_space<hbm>>) dst(%arg6 : memref<79x128xi32, #tpu.memory_space<vmem>>)
        tpu.yield
      }) : () -> ()
    } else {
    }
    %ge3A = arith.constant 4 : i32
    %ge3A_12 = arith.cmpi sge, %add3A, %ge3A : i32
    %convert_element_type3A_13 = arith.extui %ge3A_12 : i1 to i32
    %cond3A_14 = arith.constant 0 : i32
    %cond3A_15 = arith.cmpi ne, %convert_element_type3A_13, %cond3A_14 : i32
    scf.if %cond3A_15 {
      %mul3A_82 = arith.constant 78 : i32
      %mul3A_83 = arith.muli %add3A, %mul3A_82 : i32
      %add3A_84 = arith.constant 4 : i32
      %add3A_85 = arith.addi %add3A_84, %mul3A_83 : i32
      "tpu.region"() ({
        %run_scoped3A = tpu.sem_alloc : memref<!tpu.dma_semaphore, #tpu.memory_space<semaphore_mem>>
        %dma_start3A_86 = arith.constant 0 : i32
        %dma_start3A_87 = arith.constant 0 : i32
        %dma_start3A_88 = tpu.memref_slice %arg6[%dma_start3A_86, %dma_start3A_87] : memref<79x128xi32, #tpu.memory_space<vmem>> -> memref<78x128xi32, #tpu.memory_space<vmem>>
        %dma_start3A_89 = arith.constant 0 : i32
        %dma_start3A_90 = tpu.memref_slice %arg3[%add3A_85, %dma_start3A_89] : memref<2500x128xi32, #tpu.memory_space<hbm>> -> memref<78x128xi32, #tpu.memory_space<hbm>>
        %dma_start3A_91 = arith.constant 0 : i32
        %dma_start3A_92 = arith.constant 0 : i32
        %dma_start3A_93 = tpu.memref_slice %arg6[%dma_start3A_91, %dma_start3A_92] : memref<79x128xi32, #tpu.memory_space<vmem>> -> memref<78x128xi32, #tpu.memory_space<vmem>>
        %dma_start3A_94 = arith.constant 0 : i32
        %dma_start3A_95 = tpu.memref_slice %arg3[%add3A_85, %dma_start3A_94] : memref<2500x128xi32, #tpu.memory_space<hbm>> -> memref<78x128xi32, #tpu.memory_space<hbm>>
        tpu.enqueue_dma source(%dma_start3A_95 : memref<78x128xi32, #tpu.memory_space<hbm>>) target(%dma_start3A_93 : memref<78x128xi32, #tpu.memory_space<vmem>>) target_semaphore(%run_scoped3A : memref<!tpu.dma_semaphore, #tpu.memory_space<semaphore_mem>>)
        %dma_wait3A = arith.constant 0 : i32
        %dma_wait3A_96 = arith.constant 0 : i32
        %dma_wait3A_97 = tpu.memref_slice %arg6[%dma_wait3A, %dma_wait3A_96] : memref<79x128xi32, #tpu.memory_space<vmem>> -> memref<78x128xi32, #tpu.memory_space<vmem>>
        %dma_wait3A_98 = arith.constant 0 : i32
        %dma_wait3A_99 = tpu.memref_slice %arg3[%add3A_85, %dma_wait3A_98] : memref<2500x128xi32, #tpu.memory_space<hbm>> -> memref<78x128xi32, #tpu.memory_space<hbm>>
        %dma_wait3A_100 = arith.constant 0 : i32
        %dma_wait3A_101 = arith.constant 0 : i32
        %dma_wait3A_102 = tpu.memref_slice %arg6[%dma_wait3A_100, %dma_wait3A_101] : memref<79x128xi32, #tpu.memory_space<vmem>> -> memref<78x128xi32, #tpu.memory_space<vmem>>
        %dma_wait3A_103 = arith.constant 0 : i32
        %dma_wait3A_104 = tpu.memref_slice %arg3[%add3A_85, %dma_wait3A_103] : memref<2500x128xi32, #tpu.memory_space<hbm>> -> memref<78x128xi32, #tpu.memory_space<hbm>>
        tpu.wait_dma2 semaphore(%run_scoped3A : memref<!tpu.dma_semaphore, #tpu.memory_space<semaphore_mem>>) src(%dma_wait3A_104 : memref<78x128xi32, #tpu.memory_space<hbm>>) dst(%dma_wait3A_102 : memref<78x128xi32, #tpu.memory_space<vmem>>)
        tpu.yield
      }) : () -> ()
    } else {
    }
    %lt3A_16 = arith.constant 4 : i32
    %lt3A_17 = arith.cmpi slt, %add3A, %lt3A_16 : i32
    %jit3A = arith.constant 79 : i32
    %jit3A_18 = arith.constant 78 : i32
    %select_n3A = arith.select %lt3A_17, %jit3A, %jit3A_18 : i32
    %mul3A_19 = arith.constant 16 : i32
    %mul3A_20 = arith.muli %arg0, %mul3A_19 : i32
    %add3A_21 = arith.addi %mul3A_20, %arg1 : i32
    %lt3A_22 = arith.constant 4 : i32
    %lt3A_23 = arith.cmpi slt, %add3A_21, %lt3A_22 : i32
    %convert_element_type3A_24 = arith.extui %lt3A_23 : i1 to i32
    %cond3A_25 = arith.constant 0 : i32
    %cond3A_26 = arith.cmpi ne, %convert_element_type3A_24, %cond3A_25 : i32
    scf.if %cond3A_26 {
      %mul3A_82 = arith.constant 79 : i32
      %mul3A_83 = arith.muli %add3A_21, %mul3A_82 : i32
      "tpu.region"() ({
        %run_scoped3A = tpu.sem_alloc : memref<!tpu.dma_semaphore, #tpu.memory_space<semaphore_mem>>
        %dma_start3A_84 = arith.constant 0 : i32
        %dma_start3A_85 = tpu.memref_slice %arg4[%mul3A_83, %dma_start3A_84] : memref<2500x128xi32, #tpu.memory_space<hbm>> -> memref<79x128xi32, #tpu.memory_space<hbm>>
        %dma_start3A_86 = arith.constant 0 : i32
        %dma_start3A_87 = tpu.memref_slice %arg4[%mul3A_83, %dma_start3A_86] : memref<2500x128xi32, #tpu.memory_space<hbm>> -> memref<79x128xi32, #tpu.memory_space<hbm>>
        tpu.enqueue_dma source(%dma_start3A_87 : memref<79x128xi32, #tpu.memory_space<hbm>>) target(%arg7 : memref<79x128xi32, #tpu.memory_space<vmem>>) target_semaphore(%run_scoped3A : memref<!tpu.dma_semaphore, #tpu.memory_space<semaphore_mem>>)
        %dma_wait3A = arith.constant 0 : i32
        %dma_wait3A_88 = tpu.memref_slice %arg4[%mul3A_83, %dma_wait3A] : memref<2500x128xi32, #tpu.memory_space<hbm>> -> memref<79x128xi32, #tpu.memory_space<hbm>>
        %dma_wait3A_89 = arith.constant 0 : i32
        %dma_wait3A_90 = tpu.memref_slice %arg4[%mul3A_83, %dma_wait3A_89] : memref<2500x128xi32, #tpu.memory_space<hbm>> -> memref<79x128xi32, #tpu.memory_space<hbm>>
        tpu.wait_dma2 semaphore(%run_scoped3A : memref<!tpu.dma_semaphore, #tpu.memory_space<semaphore_mem>>) src(%dma_wait3A_90 : memref<79x128xi32, #tpu.memory_space<hbm>>) dst(%arg7 : memref<79x128xi32, #tpu.memory_space<vmem>>)
        tpu.yield
      }) : () -> ()
    } else {
    }
    %ge3A_27 = arith.constant 4 : i32
    %ge3A_28 = arith.cmpi sge, %add3A_21, %ge3A_27 : i32
    %convert_element_type3A_29 = arith.extui %ge3A_28 : i1 to i32
    %cond3A_30 = arith.constant 0 : i32
    %cond3A_31 = arith.cmpi ne, %convert_element_type3A_29, %cond3A_30 : i32
    scf.if %cond3A_31 {
      %mul3A_82 = arith.constant 78 : i32
      %mul3A_83 = arith.muli %add3A_21, %mul3A_82 : i32
      %add3A_84 = arith.constant 4 : i32
      %add3A_85 = arith.addi %add3A_84, %mul3A_83 : i32
      "tpu.region"() ({
        %run_scoped3A = tpu.sem_alloc : memref<!tpu.dma_semaphore, #tpu.memory_space<semaphore_mem>>
        %dma_start3A_86 = arith.constant 0 : i32
        %dma_start3A_87 = arith.constant 0 : i32
        %dma_start3A_88 = tpu.memref_slice %arg7[%dma_start3A_86, %dma_start3A_87] : memref<79x128xi32, #tpu.memory_space<vmem>> -> memref<78x128xi32, #tpu.memory_space<vmem>>
        %dma_start3A_89 = arith.constant 0 : i32
        %dma_start3A_90 = tpu.memref_slice %arg4[%add3A_85, %dma_start3A_89] : memref<2500x128xi32, #tpu.memory_space<hbm>> -> memref<78x128xi32, #tpu.memory_space<hbm>>
        %dma_start3A_91 = arith.constant 0 : i32
        %dma_start3A_92 = arith.constant 0 : i32
        %dma_start3A_93 = tpu.memref_slice %arg7[%dma_start3A_91, %dma_start3A_92] : memref<79x128xi32, #tpu.memory_space<vmem>> -> memref<78x128xi32, #tpu.memory_space<vmem>>
        %dma_start3A_94 = arith.constant 0 : i32
        %dma_start3A_95 = tpu.memref_slice %arg4[%add3A_85, %dma_start3A_94] : memref<2500x128xi32, #tpu.memory_space<hbm>> -> memref<78x128xi32, #tpu.memory_space<hbm>>
        tpu.enqueue_dma source(%dma_start3A_95 : memref<78x128xi32, #tpu.memory_space<hbm>>) target(%dma_start3A_93 : memref<78x128xi32, #tpu.memory_space<vmem>>) target_semaphore(%run_scoped3A : memref<!tpu.dma_semaphore, #tpu.memory_space<semaphore_mem>>)
        %dma_wait3A = arith.constant 0 : i32
        %dma_wait3A_96 = arith.constant 0 : i32
        %dma_wait3A_97 = tpu.memref_slice %arg7[%dma_wait3A, %dma_wait3A_96] : memref<79x128xi32, #tpu.memory_space<vmem>> -> memref<78x128xi32, #tpu.memory_space<vmem>>
        %dma_wait3A_98 = arith.constant 0 : i32
        %dma_wait3A_99 = tpu.memref_slice %arg4[%add3A_85, %dma_wait3A_98] : memref<2500x128xi32, #tpu.memory_space<hbm>> -> memref<78x128xi32, #tpu.memory_space<hbm>>
        %dma_wait3A_100 = arith.constant 0 : i32
        %dma_wait3A_101 = arith.constant 0 : i32
        %dma_wait3A_102 = tpu.memref_slice %arg7[%dma_wait3A_100, %dma_wait3A_101] : memref<79x128xi32, #tpu.memory_space<vmem>> -> memref<78x128xi32, #tpu.memory_space<vmem>>
        %dma_wait3A_103 = arith.constant 0 : i32
        %dma_wait3A_104 = tpu.memref_slice %arg4[%add3A_85, %dma_wait3A_103] : memref<2500x128xi32, #tpu.memory_space<hbm>> -> memref<78x128xi32, #tpu.memory_space<hbm>>
        tpu.wait_dma2 semaphore(%run_scoped3A : memref<!tpu.dma_semaphore, #tpu.memory_space<semaphore_mem>>) src(%dma_wait3A_104 : memref<78x128xi32, #tpu.memory_space<hbm>>) dst(%dma_wait3A_102 : memref<78x128xi32, #tpu.memory_space<vmem>>)
        tpu.yield
      }) : () -> ()
    } else {
    }
    %lt3A_32 = arith.constant 4 : i32
    %lt3A_33 = arith.cmpi slt, %add3A_21, %lt3A_32 : i32
    %jit3A_34 = arith.constant 79 : i32
    %jit3A_35 = arith.constant 78 : i32
    %select_n3A_36 = arith.select %lt3A_33, %jit3A_34, %jit3A_35 : i32
    %scan3A = arith.constant 0 : i32
    %scan3A_37 = arith.constant 0 : i32
    %scan3A_38 = arith.constant 640 : i32
    %scan3A_39 = arith.addi %scan3A_37, %scan3A_38 : i32
    %scan3A_40 = arith.constant 1 : i32
    %scan3A_41 = scf.for %scan3A_82 = %scan3A_37 to %scan3A_39 step %scan3A_40 iter_args(%scan3A_83 = %scan3A) -> (i32)  : i32 {
      %broadcast_in_dim3A = arith.constant 0.000000e+00 : f32
      %broadcast_in_dim3A_84 = vector.broadcast %broadcast_in_dim3A : f32 to vector<16xf32>
      %swap3A = arith.index_cast %scan3A_82 : i32 to index
      %swap3A_85 = arith.constant 0 : index
      %swap3A_86 = tpu.vector_load %arg9[%swap3A, %swap3A_85] {strides = array<i32>} : memref<640x16xf32, #tpu.memory_space<vmem>>, vector<1x16xf32>,
      %swap3A_87 = vector.shape_cast %swap3A_86 : vector<1x16xf32> to vector<16xf32>
      %swap3A_88 = vector.shape_cast %broadcast_in_dim3A_84 : vector<16xf32> to vector<1x16xf32>
      tpu.vector_store %arg9[%swap3A, %swap3A_85], %swap3A_88 {strides = array<i32>} : memref<640x16xf32, #tpu.memory_space<vmem>>, vector<1x16xf32>,
      %scan3A_89 = arith.constant 0 : i32
      scf.yield %scan3A_89 : i32
    }
    %scan3A_42 = arith.constant 640 : i32
    %mul3A_43 = arith.constant 640 : i32
    %mul3A_44 = arith.muli %arg1, %mul3A_43 : i32
    "tpu.region"() ({
      %run_scoped3A = tpu.sem_alloc : memref<!tpu.dma_semaphore, #tpu.memory_space<semaphore_mem>>
      %dma_start3A_82 = arith.constant 0 : i32
      %dma_start3A_83 = tpu.memref_slice %arg11[%mul3A_44, %dma_start3A_82] : memref<10240x16xf32, #tpu.memory_space<vmem_shared>> -> memref<640x16xf32, #tpu.memory_space<vmem_shared>>
      %dma_start3A_84 = arith.constant 0 : i32
      %dma_start3A_85 = tpu.memref_slice %arg11[%mul3A_44, %dma_start3A_84] : memref<10240x16xf32, #tpu.memory_space<vmem_shared>> -> memref<640x16xf32, #tpu.memory_space<vmem_shared>>
      tpu.enqueue_dma source(%arg9 : memref<640x16xf32, #tpu.memory_space<vmem>>) target(%dma_start3A_85 : memref<640x16xf32, #tpu.memory_space<vmem_shared>>) target_semaphore(%run_scoped3A : memref<!tpu.dma_semaphore, #tpu.memory_space<semaphore_mem>>)
      %dma_wait3A = arith.constant 0 : i32
      %dma_wait3A_86 = tpu.memref_slice %arg11[%mul3A_44, %dma_wait3A] : memref<10240x16xf32, #tpu.memory_space<vmem_shared>> -> memref<640x16xf32, #tpu.memory_space<vmem_shared>>
      %dma_wait3A_87 = arith.constant 0 : i32
      %dma_wait3A_88 = tpu.memref_slice %arg11[%mul3A_44, %dma_wait3A_87] : memref<10240x16xf32, #tpu.memory_space<vmem_shared>> -> memref<640x16xf32, #tpu.memory_space<vmem_shared>>
      tpu.wait_dma2 semaphore(%run_scoped3A : memref<!tpu.dma_semaphore, #tpu.memory_space<semaphore_mem>>) src(%arg9 : memref<640x16xf32, #tpu.memory_space<vmem>>) dst(%dma_wait3A_88 : memref<640x16xf32, #tpu.memory_space<vmem_shared>>)
      tpu.yield
    }) : () -> ()
    %lt3A_45 = arith.constant 15 : i32
    %lt3A_46 = arith.cmpi slt, %arg1, %lt3A_45 : i32
    %convert_element_type3A_47 = arith.extui %lt3A_46 : i1 to i32
    %cond3A_48 = arith.constant 0 : i32
    %cond3A_49 = arith.cmpi ne, %convert_element_type3A_47, %cond3A_48 : i32
    scf.if %cond3A_49 {
      %mul3A_82 = arith.constant 640 : i32
      %mul3A_83 = arith.muli %arg1, %mul3A_82 : i32
      %dma_wait3A = arith.constant 0 : i32
      %dma_wait3A_84 = tpu.memref_slice %arg2[%mul3A_83, %dma_wait3A] : memref<10000x16xf32, #tpu.memory_space<hbm>> -> memref<640x16xf32, #tpu.memory_space<hbm>>
      %dma_wait3A_85 = arith.constant 0 : i32
      %dma_wait3A_86 = tpu.memref_slice %arg2[%mul3A_83, %dma_wait3A_85] : memref<10000x16xf32, #tpu.memory_space<hbm>> -> memref<640x16xf32, #tpu.memory_space<hbm>>
      tpu.wait_dma2 semaphore(%arg14 : memref<!tpu.dma_semaphore, #tpu.memory_space<semaphore_mem>>) src(%dma_wait3A_86 : memref<640x16xf32, #tpu.memory_space<hbm>>) dst(%arg10 : memref<640x16xf32, #tpu.memory_space<vmem>>)
      %mul3A_87 = arith.constant 640 : i32
      %mul3A_88 = arith.muli %arg1, %mul3A_87 : i32
      "tpu.region"() ({
        %run_scoped3A = tpu.sem_alloc : memref<!tpu.dma_semaphore, #tpu.memory_space<semaphore_mem>>
        %dma_start3A_89 = arith.constant 0 : i32
        %dma_start3A_90 = tpu.memref_slice %arg12[%mul3A_88, %dma_start3A_89] : memref<10240x16xf32, #tpu.memory_space<vmem_shared>> -> memref<640x16xf32, #tpu.memory_space<vmem_shared>>
        %dma_start3A_91 = arith.constant 0 : i32
        %dma_start3A_92 = tpu.memref_slice %arg12[%mul3A_88, %dma_start3A_91] : memref<10240x16xf32, #tpu.memory_space<vmem_shared>> -> memref<640x16xf32, #tpu.memory_space<vmem_shared>>
        tpu.enqueue_dma source(%arg10 : memref<640x16xf32, #tpu.memory_space<vmem>>) target(%dma_start3A_92 : memref<640x16xf32, #tpu.memory_space<vmem_shared>>) target_semaphore(%run_scoped3A : memref<!tpu.dma_semaphore, #tpu.memory_space<semaphore_mem>>)
        %dma_wait3A_93 = arith.constant 0 : i32
        %dma_wait3A_94 = tpu.memref_slice %arg12[%mul3A_88, %dma_wait3A_93] : memref<10240x16xf32, #tpu.memory_space<vmem_shared>> -> memref<640x16xf32, #tpu.memory_space<vmem_shared>>
        %dma_wait3A_95 = arith.constant 0 : i32
        %dma_wait3A_96 = tpu.memref_slice %arg12[%mul3A_88, %dma_wait3A_95] : memref<10240x16xf32, #tpu.memory_space<vmem_shared>> -> memref<640x16xf32, #tpu.memory_space<vmem_shared>>
        tpu.wait_dma2 semaphore(%run_scoped3A : memref<!tpu.dma_semaphore, #tpu.memory_space<semaphore_mem>>) src(%arg10 : memref<640x16xf32, #tpu.memory_space<vmem>>) dst(%dma_wait3A_96 : memref<640x16xf32, #tpu.memory_space<vmem_shared>>)
        tpu.yield
      }) : () -> ()
    } else {
    }
    %eq3A_50 = arith.constant 15 : i32
    %eq3A_51 = arith.cmpi eq, %arg1, %eq3A_50 : i32
    %convert_element_type3A_52 = arith.extui %eq3A_51 : i1 to i32
    %cond3A_53 = arith.constant 0 : i32
    %cond3A_54 = arith.cmpi ne, %convert_element_type3A_52, %cond3A_53 : i32
    scf.if %cond3A_54 {
      %dma_wait3A = arith.constant 0 : i32
      %dma_wait3A_82 = arith.constant 0 : i32
      %dma_wait3A_83 = tpu.memref_slice %arg10[%dma_wait3A, %dma_wait3A_82] : memref<640x16xf32, #tpu.memory_space<vmem>> -> memref<400x16xf32, #tpu.memory_space<vmem>>
      %dma_wait3A_84 = arith.constant 9600 : i32
      %dma_wait3A_85 = arith.constant 0 : i32
      %dma_wait3A_86 = tpu.memref_slice %arg2[%dma_wait3A_84, %dma_wait3A_85] : memref<10000x16xf32, #tpu.memory_space<hbm>> -> memref<400x16xf32, #tpu.memory_space<hbm>>
      %dma_wait3A_87 = arith.constant 0 : i32
      %dma_wait3A_88 = arith.constant 0 : i32
      %dma_wait3A_89 = tpu.memref_slice %arg10[%dma_wait3A_87, %dma_wait3A_88] : memref<640x16xf32, #tpu.memory_space<vmem>> -> memref<400x16xf32, #tpu.memory_space<vmem>>
      %dma_wait3A_90 = arith.constant 9600 : i32
      %dma_wait3A_91 = arith.constant 0 : i32
      %dma_wait3A_92 = tpu.memref_slice %arg2[%dma_wait3A_90, %dma_wait3A_91] : memref<10000x16xf32, #tpu.memory_space<hbm>> -> memref<400x16xf32, #tpu.memory_space<hbm>>
      tpu.wait_dma2 semaphore(%arg14 : memref<!tpu.dma_semaphore, #tpu.memory_space<semaphore_mem>>) src(%dma_wait3A_92 : memref<400x16xf32, #tpu.memory_space<hbm>>) dst(%dma_wait3A_89 : memref<400x16xf32, #tpu.memory_space<vmem>>)
      "tpu.region"() ({
        %run_scoped3A = tpu.sem_alloc : memref<!tpu.dma_semaphore, #tpu.memory_space<semaphore_mem>>
        %dma_start3A_93 = arith.constant 0 : i32
        %dma_start3A_94 = arith.constant 0 : i32
        %dma_start3A_95 = tpu.memref_slice %arg10[%dma_start3A_93, %dma_start3A_94] : memref<640x16xf32, #tpu.memory_space<vmem>> -> memref<400x16xf32, #tpu.memory_space<vmem>>
        %dma_start3A_96 = arith.constant 9600 : i32
        %dma_start3A_97 = arith.constant 0 : i32
        %dma_start3A_98 = tpu.memref_slice %arg12[%dma_start3A_96, %dma_start3A_97] : memref<10240x16xf32, #tpu.memory_space<vmem_shared>> -> memref<400x16xf32, #tpu.memory_space<vmem_shared>>
        %dma_start3A_99 = arith.constant 9600 : i32
        %dma_start3A_100 = arith.constant 0 : i32
        %dma_start3A_101 = tpu.memref_slice %arg12[%dma_start3A_99, %dma_start3A_100] : memref<10240x16xf32, #tpu.memory_space<vmem_shared>> -> memref<400x16xf32, #tpu.memory_space<vmem_shared>>
        %dma_start3A_102 = arith.constant 0 : i32
        %dma_start3A_103 = arith.constant 0 : i32
        %dma_start3A_104 = tpu.memref_slice %arg10[%dma_start3A_102, %dma_start3A_103] : memref<640x16xf32, #tpu.memory_space<vmem>> -> memref<400x16xf32, #tpu.memory_space<vmem>>
        tpu.enqueue_dma source(%dma_start3A_104 : memref<400x16xf32, #tpu.memory_space<vmem>>) target(%dma_start3A_101 : memref<400x16xf32, #tpu.memory_space<vmem_shared>>) target_semaphore(%run_scoped3A : memref<!tpu.dma_semaphore, #tpu.memory_space<semaphore_mem>>)
        %dma_wait3A_105 = arith.constant 0 : i32
        %dma_wait3A_106 = arith.constant 0 : i32
        %dma_wait3A_107 = tpu.memref_slice %arg10[%dma_wait3A_105, %dma_wait3A_106] : memref<640x16xf32, #tpu.memory_space<vmem>> -> memref<400x16xf32, #tpu.memory_space<vmem>>
        %dma_wait3A_108 = arith.constant 9600 : i32
        %dma_wait3A_109 = arith.constant 0 : i32
        %dma_wait3A_110 = tpu.memref_slice %arg12[%dma_wait3A_108, %dma_wait3A_109] : memref<10240x16xf32, #tpu.memory_space<vmem_shared>> -> memref<400x16xf32, #tpu.memory_space<vmem_shared>>
        %dma_wait3A_111 = arith.constant 9600 : i32
        %dma_wait3A_112 = arith.constant 0 : i32
        %dma_wait3A_113 = tpu.memref_slice %arg12[%dma_wait3A_111, %dma_wait3A_112] : memref<10240x16xf32, #tpu.memory_space<vmem_shared>> -> memref<400x16xf32, #tpu.memory_space<vmem_shared>>
        %dma_wait3A_114 = arith.constant 0 : i32
        %dma_wait3A_115 = arith.constant 0 : i32
        %dma_wait3A_116 = tpu.memref_slice %arg10[%dma_wait3A_114, %dma_wait3A_115] : memref<640x16xf32, #tpu.memory_space<vmem>> -> memref<400x16xf32, #tpu.memory_space<vmem>>
        tpu.wait_dma2 semaphore(%run_scoped3A : memref<!tpu.dma_semaphore, #tpu.memory_space<semaphore_mem>>) src(%dma_wait3A_116 : memref<400x16xf32, #tpu.memory_space<vmem>>) dst(%dma_wait3A_113 : memref<400x16xf32, #tpu.memory_space<vmem_shared>>)
        tpu.yield
      }) : () -> ()
    } else {
    }
    %barrier3A = arith.constant 0 : index
    tpu.barrier barrier_id(%barrier3A)
    %dma_start3A = arith.constant 0 : i32
    %dma_start3A_55 = arith.constant 0 : i32
    %dma_start3A_56 = arith.constant 0 : i32
    %dma_start3A_57 = arith.constant 0 : i32
    %dma_start3A_58 = tpu.memref_slice %arg8[%dma_start3A_55, %dma_start3A_56, %dma_start3A_57] : memref<2x128x16xf32, #tpu.memory_space<vmem>> -> memref<1x128x16xf32, #tpu.memory_space<vmem>>
    %dma_start3A_59 = tpu.memref_squeeze %dma_start3A_58 : memref<1x128x16xf32, #tpu.memory_space<vmem>> -> memref<128x16xf32, #tpu.memory_space<vmem>>
    %dma_start3A_60 = arith.constant 0 : i32
    %dma_start3A_61 = tpu.memref_slice %arg6[%dma_start3A, %dma_start3A_60] : memref<79x128xi32, #tpu.memory_space<vmem>> -> memref<1x128xi32, #tpu.memory_space<vmem>>
    %dma_start3A_62 = tpu.memref_squeeze %dma_start3A_61 : memref<1x128xi32, #tpu.memory_space<vmem>> -> memref<128xi32, #tpu.memory_space<vmem>>
    %dma_start3A_63 = arith.constant 0 : i32
    %dma_start3A_64 = arith.constant 0 : i32
    %dma_start3A_65 = tpu.memref_slice %arg12[%dma_start3A_63, %dma_start3A_64] : memref<10240x16xf32, #tpu.memory_space<vmem_shared>> -> memref<10240x16xf32, #tpu.memory_space<vmem_shared>>
    tpu.enqueue_indirect_dma source(%dma_start3A_65 : memref<10240x16xf32, #tpu.memory_space<vmem_shared>>) target(%dma_start3A_59 : memref<128x16xf32, #tpu.memory_space<vmem>>) offsets(%dma_start3A_62 : memref<128xi32, #tpu.memory_space<vmem>>) semaphore(%arg13 : memref<!tpu.dma_semaphore, #tpu.memory_space<semaphore_mem>>)
    %while3A = arith.constant 0 : i32
    %while3A_66 = arith.constant 0 : i32
    %while3A_67 = arith.subi %select_n3A, %while3A : i32
    %while3A_68 = arith.addi %while3A, %while3A_67 : i32
    %while3A_69 = arith.constant 1 : i32
    %while3A_70 = arith.divsi %while3A_67, %while3A_69 : i32
    %while3A_71 = arith.muli %while3A_70, %while3A_69 : i32
    %while3A_72 = arith.addi %while3A, %while3A_71 : i32
    %while3A_73 = arith.constant 1 : i32
    %while3A_74 = scf.for %while3A_82 = %while3A to %while3A_72 step %while3A_73 iter_args(%while3A_83 = %while3A_66) -> (i32)  : i32 {
      %rem3A = arith.constant 2 : i32
      %rem3A_84 = arith.remsi %while3A_82, %rem3A : i32
      %dma_wait3A = arith.constant 0 : i32
      %dma_wait3A_85 = arith.constant 0 : i32
      %dma_wait3A_86 = tpu.memref_slice %arg8[%rem3A_84, %dma_wait3A, %dma_wait3A_85] : memref<2x128x16xf32, #tpu.memory_space<vmem>> -> memref<1x128x16xf32, #tpu.memory_space<vmem>>
      %dma_wait3A_87 = tpu.memref_squeeze %dma_wait3A_86 : memref<1x128x16xf32, #tpu.memory_space<vmem>> -> memref<128x16xf32, #tpu.memory_space<vmem>>
      %dma_wait3A_88 = arith.constant 0 : i32
      %dma_wait3A_89 = arith.constant 0 : i32
      %dma_wait3A_90 = tpu.memref_slice %arg2[%dma_wait3A_88, %dma_wait3A_89] : memref<10000x16xf32, #tpu.memory_space<hbm>> -> memref<128x16xf32, #tpu.memory_space<hbm>>
      %dma_wait3A_91 = arith.constant 0 : i32
      %dma_wait3A_92 = arith.constant 0 : i32
      %dma_wait3A_93 = tpu.memref_slice %arg8[%rem3A_84, %dma_wait3A_91, %dma_wait3A_92] : memref<2x128x16xf32, #tpu.memory_space<vmem>> -> memref<1x128x16xf32, #tpu.memory_space<vmem>>
      %dma_wait3A_94 = tpu.memref_squeeze %dma_wait3A_93 : memref<1x128x16xf32, #tpu.memory_space<vmem>> -> memref<128x16xf32, #tpu.memory_space<vmem>>
      %dma_wait3A_95 = arith.constant 0 : i32
      %dma_wait3A_96 = arith.constant 0 : i32
      %dma_wait3A_97 = tpu.memref_slice %arg2[%dma_wait3A_95, %dma_wait3A_96] : memref<10000x16xf32, #tpu.memory_space<hbm>> -> memref<128x16xf32, #tpu.memory_space<hbm>>
      tpu.wait_dma2 semaphore(%arg13 : memref<!tpu.dma_semaphore, #tpu.memory_space<semaphore_mem>>) src(%dma_wait3A_97 : memref<128x16xf32, #tpu.memory_space<hbm>>) dst(%dma_wait3A_94 : memref<128x16xf32, #tpu.memory_space<vmem>>)
      %add3A_98 = arith.constant 1 : i32
      %add3A_99 = arith.addi %while3A_82, %add3A_98 : i32
      %lt3A_100 = arith.cmpi slt, %add3A_99, %select_n3A : i32
      %convert_element_type3A_101 = arith.extui %lt3A_100 : i1 to i32
      %cond3A_102 = arith.constant 0 : i32
      %cond3A_103 = arith.cmpi ne, %convert_element_type3A_101, %cond3A_102 : i32
      scf.if %cond3A_103 {
        %add3A_105 = arith.constant 1 : i32
        %add3A_106 = arith.addi %while3A_82, %add3A_105 : i32
        %sub3A = arith.constant 1 : i32
        %sub3A_107 = arith.subi %sub3A, %rem3A_84 : i32
        %dma_start3A_108 = arith.constant 0 : i32
        %dma_start3A_109 = arith.constant 0 : i32
        %dma_start3A_110 = tpu.memref_slice %arg8[%sub3A_107, %dma_start3A_108, %dma_start3A_109] : memref<2x128x16xf32, #tpu.memory_space<vmem>> -> memref<1x128x16xf32, #tpu.memory_space<vmem>>
        %dma_start3A_111 = tpu.memref_squeeze %dma_start3A_110 : memref<1x128x16xf32, #tpu.memory_space<vmem>> -> memref<128x16xf32, #tpu.memory_space<vmem>>
        %dma_start3A_112 = arith.constant 0 : i32
        %dma_start3A_113 = tpu.memref_slice %arg6[%add3A_106, %dma_start3A_112] : memref<79x128xi32, #tpu.memory_space<vmem>> -> memref<1x128xi32, #tpu.memory_space<vmem>>
        %dma_start3A_114 = tpu.memref_squeeze %dma_start3A_113 : memref<1x128xi32, #tpu.memory_space<vmem>> -> memref<128xi32, #tpu.memory_space<vmem>>
        %dma_start3A_115 = arith.constant 0 : i32
        %dma_start3A_116 = arith.constant 0 : i32
        %dma_start3A_117 = tpu.memref_slice %arg12[%dma_start3A_115, %dma_start3A_116] : memref<10240x16xf32, #tpu.memory_space<vmem_shared>> -> memref<10240x16xf32, #tpu.memory_space<vmem_shared>>
        tpu.enqueue_indirect_dma source(%dma_start3A_117 : memref<10240x16xf32, #tpu.memory_space<vmem_shared>>) target(%dma_start3A_111 : memref<128x16xf32, #tpu.memory_space<vmem>>) offsets(%dma_start3A_114 : memref<128xi32, #tpu.memory_space<vmem>>) semaphore(%arg13 : memref<!tpu.dma_semaphore, #tpu.memory_space<semaphore_mem>>)
      } else {
      }
      "tpu.region"() ({
        %run_scoped3A = tpu.sem_alloc : memref<!tpu.dma_semaphore, #tpu.memory_space<semaphore_mem>>
        %dma_start3A_105 = arith.constant 0 : i32
        %dma_start3A_106 = arith.constant 0 : i32
        %dma_start3A_107 = tpu.memref_slice %arg8[%rem3A_84, %dma_start3A_105, %dma_start3A_106] : memref<2x128x16xf32, #tpu.memory_space<vmem>> -> memref<1x128x16xf32, #tpu.memory_space<vmem>>
        %dma_start3A_108 = tpu.memref_squeeze %dma_start3A_107 : memref<1x128x16xf32, #tpu.memory_space<vmem>> -> memref<128x16xf32, #tpu.memory_space<vmem>>
        %dma_start3A_109 = arith.constant 0 : i32
        %dma_start3A_110 = tpu.memref_slice %arg7[%while3A_82, %dma_start3A_109] : memref<79x128xi32, #tpu.memory_space<vmem>> -> memref<1x128xi32, #tpu.memory_space<vmem>>
        %dma_start3A_111 = tpu.memref_squeeze %dma_start3A_110 : memref<1x128xi32, #tpu.memory_space<vmem>> -> memref<128xi32, #tpu.memory_space<vmem>>
        %dma_start3A_112 = arith.constant 0 : i32
        %dma_start3A_113 = arith.constant 0 : i32
        %dma_start3A_114 = tpu.memref_slice %arg11[%dma_start3A_112, %dma_start3A_113] : memref<10240x16xf32, #tpu.memory_space<vmem_shared>> -> memref<10240x16xf32, #tpu.memory_space<vmem_shared>>
        tpu.enqueue_indirect_dma source(%dma_start3A_108 : memref<128x16xf32, #tpu.memory_space<vmem>>) target(%dma_start3A_114 : memref<10240x16xf32, #tpu.memory_space<vmem_shared>>) offsets(%dma_start3A_111 : memref<128xi32, #tpu.memory_space<vmem>>) semaphore(%run_scoped3A : memref<!tpu.dma_semaphore, #tpu.memory_space<semaphore_mem>>) {add = true}
        %dma_wait3A_115 = arith.constant 0 : i32
        %dma_wait3A_116 = arith.constant 0 : i32
        %dma_wait3A_117 = tpu.memref_slice %arg8[%rem3A_84, %dma_wait3A_115, %dma_wait3A_116] : memref<2x128x16xf32, #tpu.memory_space<vmem>> -> memref<1x128x16xf32, #tpu.memory_space<vmem>>
        %dma_wait3A_118 = tpu.memref_squeeze %dma_wait3A_117 : memref<1x128x16xf32, #tpu.memory_space<vmem>> -> memref<128x16xf32, #tpu.memory_space<vmem>>
        %dma_wait3A_119 = arith.constant 0 : i32
        %dma_wait3A_120 = tpu.memref_slice %arg7[%while3A_82, %dma_wait3A_119] : memref<79x128xi32, #tpu.memory_space<vmem>> -> memref<1x128xi32, #tpu.memory_space<vmem>>
        %dma_wait3A_121 = tpu.memref_squeeze %dma_wait3A_120 : memref<1x128xi32, #tpu.memory_space<vmem>> -> memref<128xi32, #tpu.memory_space<vmem>>
        %dma_wait3A_122 = arith.constant 0 : i32
        %dma_wait3A_123 = arith.constant 0 : i32
        %dma_wait3A_124 = tpu.memref_slice %arg11[%dma_wait3A_122, %dma_wait3A_123] : memref<10240x16xf32, #tpu.memory_space<vmem_shared>> -> memref<10240x16xf32, #tpu.memory_space<vmem_shared>>
        tpu.wait_indirect_dma semaphore(%run_scoped3A : memref<!tpu.dma_semaphore, #tpu.memory_space<semaphore_mem>>) src(%dma_wait3A_118 : memref<128x16xf32, #tpu.memory_space<vmem>>) dst(%dma_wait3A_124 : memref<10240x16xf32, #tpu.memory_space<vmem_shared>>)
        tpu.yield
      }) : () -> ()
      %while3A_104 = arith.constant 0 : i32
      scf.yield %while3A_104 : i32
    }
    %while3A_75 = arith.constant 1 : i32
    %while3A_76 = scf.for %while3A_82 = %while3A_72 to %while3A_68 step %while3A_75 iter_args(%while3A_83 = %while3A_74) -> (i32)  : i32 {
      %rem3A = arith.constant 2 : i32
      %rem3A_84 = arith.remsi %while3A_82, %rem3A : i32
      %dma_wait3A = arith.constant 0 : i32
      %dma_wait3A_85 = arith.constant 0 : i32
      %dma_wait3A_86 = tpu.memref_slice %arg8[%rem3A_84, %dma_wait3A, %dma_wait3A_85] : memref<2x128x16xf32, #tpu.memory_space<vmem>> -> memref<1x128x16xf32, #tpu.memory_space<vmem>>
      %dma_wait3A_87 = tpu.memref_squeeze %dma_wait3A_86 : memref<1x128x16xf32, #tpu.memory_space<vmem>> -> memref<128x16xf32, #tpu.memory_space<vmem>>
      %dma_wait3A_88 = arith.constant 0 : i32
      %dma_wait3A_89 = arith.constant 0 : i32
      %dma_wait3A_90 = tpu.memref_slice %arg2[%dma_wait3A_88, %dma_wait3A_89] : memref<10000x16xf32, #tpu.memory_space<hbm>> -> memref<128x16xf32, #tpu.memory_space<hbm>>
      %dma_wait3A_91 = arith.constant 0 : i32
      %dma_wait3A_92 = arith.constant 0 : i32
      %dma_wait3A_93 = tpu.memref_slice %arg8[%rem3A_84, %dma_wait3A_91, %dma_wait3A_92] : memref<2x128x16xf32, #tpu.memory_space<vmem>> -> memref<1x128x16xf32, #tpu.memory_space<vmem>>
      %dma_wait3A_94 = tpu.memref_squeeze %dma_wait3A_93 : memref<1x128x16xf32, #tpu.memory_space<vmem>> -> memref<128x16xf32, #tpu.memory_space<vmem>>
      %dma_wait3A_95 = arith.constant 0 : i32
      %dma_wait3A_96 = arith.constant 0 : i32
      %dma_wait3A_97 = tpu.memref_slice %arg2[%dma_wait3A_95, %dma_wait3A_96] : memref<10000x16xf32, #tpu.memory_space<hbm>> -> memref<128x16xf32, #tpu.memory_space<hbm>>
      tpu.wait_dma2 semaphore(%arg13 : memref<!tpu.dma_semaphore, #tpu.memory_space<semaphore_mem>>) src(%dma_wait3A_97 : memref<128x16xf32, #tpu.memory_space<hbm>>) dst(%dma_wait3A_94 : memref<128x16xf32, #tpu.memory_space<vmem>>)
      %add3A_98 = arith.constant 1 : i32
      %add3A_99 = arith.addi %while3A_82, %add3A_98 : i32
      %lt3A_100 = arith.cmpi slt, %add3A_99, %select_n3A : i32
      %convert_element_type3A_101 = arith.extui %lt3A_100 : i1 to i32
      %cond3A_102 = arith.constant 0 : i32
      %cond3A_103 = arith.cmpi ne, %convert_element_type3A_101, %cond3A_102 : i32
      scf.if %cond3A_103 {
        %add3A_105 = arith.constant 1 : i32
        %add3A_106 = arith.addi %while3A_82, %add3A_105 : i32
        %sub3A = arith.constant 1 : i32
        %sub3A_107 = arith.subi %sub3A, %rem3A_84 : i32
        %dma_start3A_108 = arith.constant 0 : i32
        %dma_start3A_109 = arith.constant 0 : i32
        %dma_start3A_110 = tpu.memref_slice %arg8[%sub3A_107, %dma_start3A_108, %dma_start3A_109] : memref<2x128x16xf32, #tpu.memory_space<vmem>> -> memref<1x128x16xf32, #tpu.memory_space<vmem>>
        %dma_start3A_111 = tpu.memref_squeeze %dma_start3A_110 : memref<1x128x16xf32, #tpu.memory_space<vmem>> -> memref<128x16xf32, #tpu.memory_space<vmem>>
        %dma_start3A_112 = arith.constant 0 : i32
        %dma_start3A_113 = tpu.memref_slice %arg6[%add3A_106, %dma_start3A_112] : memref<79x128xi32, #tpu.memory_space<vmem>> -> memref<1x128xi32, #tpu.memory_space<vmem>>
        %dma_start3A_114 = tpu.memref_squeeze %dma_start3A_113 : memref<1x128xi32, #tpu.memory_space<vmem>> -> memref<128xi32, #tpu.memory_space<vmem>>
        %dma_start3A_115 = arith.constant 0 : i32
        %dma_start3A_116 = arith.constant 0 : i32
        %dma_start3A_117 = tpu.memref_slice %arg12[%dma_start3A_115, %dma_start3A_116] : memref<10240x16xf32, #tpu.memory_space<vmem_shared>> -> memref<10240x16xf32, #tpu.memory_space<vmem_shared>>
        tpu.enqueue_indirect_dma source(%dma_start3A_117 : memref<10240x16xf32, #tpu.memory_space<vmem_shared>>) target(%dma_start3A_111 : memref<128x16xf32, #tpu.memory_space<vmem>>) offsets(%dma_start3A_114 : memref<128xi32, #tpu.memory_space<vmem>>) semaphore(%arg13 : memref<!tpu.dma_semaphore, #tpu.memory_space<semaphore_mem>>)
      } else {
      }
      "tpu.region"() ({
        %run_scoped3A = tpu.sem_alloc : memref<!tpu.dma_semaphore, #tpu.memory_space<semaphore_mem>>
        %dma_start3A_105 = arith.constant 0 : i32
        %dma_start3A_106 = arith.constant 0 : i32
        %dma_start3A_107 = tpu.memref_slice %arg8[%rem3A_84, %dma_start3A_105, %dma_start3A_106] : memref<2x128x16xf32, #tpu.memory_space<vmem>> -> memref<1x128x16xf32, #tpu.memory_space<vmem>>
        %dma_start3A_108 = tpu.memref_squeeze %dma_start3A_107 : memref<1x128x16xf32, #tpu.memory_space<vmem>> -> memref<128x16xf32, #tpu.memory_space<vmem>>
        %dma_start3A_109 = arith.constant 0 : i32
        %dma_start3A_110 = tpu.memref_slice %arg7[%while3A_82, %dma_start3A_109] : memref<79x128xi32, #tpu.memory_space<vmem>> -> memref<1x128xi32, #tpu.memory_space<vmem>>
        %dma_start3A_111 = tpu.memref_squeeze %dma_start3A_110 : memref<1x128xi32, #tpu.memory_space<vmem>> -> memref<128xi32, #tpu.memory_space<vmem>>
        %dma_start3A_112 = arith.constant 0 : i32
        %dma_start3A_113 = arith.constant 0 : i32
        %dma_start3A_114 = tpu.memref_slice %arg11[%dma_start3A_112, %dma_start3A_113] : memref<10240x16xf32, #tpu.memory_space<vmem_shared>> -> memref<10240x16xf32, #tpu.memory_space<vmem_shared>>
        tpu.enqueue_indirect_dma source(%dma_start3A_108 : memref<128x16xf32, #tpu.memory_space<vmem>>) target(%dma_start3A_114 : memref<10240x16xf32, #tpu.memory_space<vmem_shared>>) offsets(%dma_start3A_111 : memref<128xi32, #tpu.memory_space<vmem>>) semaphore(%run_scoped3A : memref<!tpu.dma_semaphore, #tpu.memory_space<semaphore_mem>>) {add = true}
        %dma_wait3A_115 = arith.constant 0 : i32
        %dma_wait3A_116 = arith.constant 0 : i32
        %dma_wait3A_117 = tpu.memref_slice %arg8[%rem3A_84, %dma_wait3A_115, %dma_wait3A_116] : memref<2x128x16xf32, #tpu.memory_space<vmem>> -> memref<1x128x16xf32, #tpu.memory_space<vmem>>
        %dma_wait3A_118 = tpu.memref_squeeze %dma_wait3A_117 : memref<1x128x16xf32, #tpu.memory_space<vmem>> -> memref<128x16xf32, #tpu.memory_space<vmem>>
        %dma_wait3A_119 = arith.constant 0 : i32
        %dma_wait3A_120 = tpu.memref_slice %arg7[%while3A_82, %dma_wait3A_119] : memref<79x128xi32, #tpu.memory_space<vmem>> -> memref<1x128xi32, #tpu.memory_space<vmem>>
        %dma_wait3A_121 = tpu.memref_squeeze %dma_wait3A_120 : memref<1x128xi32, #tpu.memory_space<vmem>> -> memref<128xi32, #tpu.memory_space<vmem>>
        %dma_wait3A_122 = arith.constant 0 : i32
        %dma_wait3A_123 = arith.constant 0 : i32
        %dma_wait3A_124 = tpu.memref_slice %arg11[%dma_wait3A_122, %dma_wait3A_123] : memref<10240x16xf32, #tpu.memory_space<vmem_shared>> -> memref<10240x16xf32, #tpu.memory_space<vmem_shared>>
        tpu.wait_indirect_dma semaphore(%run_scoped3A : memref<!tpu.dma_semaphore, #tpu.memory_space<semaphore_mem>>) src(%dma_wait3A_118 : memref<128x16xf32, #tpu.memory_space<vmem>>) dst(%dma_wait3A_124 : memref<10240x16xf32, #tpu.memory_space<vmem_shared>>)
        tpu.yield
      }) : () -> ()
      %while3A_104 = arith.constant 0 : i32
      scf.yield %while3A_104 : i32
    }
    %barrier3A_77 = arith.constant 0 : index
    tpu.barrier barrier_id(%barrier3A_77)
    %mul3A_78 = arith.constant 640 : i32
    %mul3A_79 = arith.muli %arg1, %mul3A_78 : i32
    "tpu.region"() ({
      %run_scoped3A = tpu.sem_alloc : memref<!tpu.dma_semaphore, #tpu.memory_space<semaphore_mem>>
      %dma_start3A_82 = arith.constant 0 : i32
      %dma_start3A_83 = tpu.memref_slice %arg11[%mul3A_79, %dma_start3A_82] : memref<10240x16xf32, #tpu.memory_space<vmem_shared>> -> memref<640x16xf32, #tpu.memory_space<vmem_shared>>
      %dma_start3A_84 = arith.constant 0 : i32
      %dma_start3A_85 = tpu.memref_slice %arg11[%mul3A_79, %dma_start3A_84] : memref<10240x16xf32, #tpu.memory_space<vmem_shared>> -> memref<640x16xf32, #tpu.memory_space<vmem_shared>>
      tpu.enqueue_dma source(%dma_start3A_85 : memref<640x16xf32, #tpu.memory_space<vmem_shared>>) target(%arg9 : memref<640x16xf32, #tpu.memory_space<vmem>>) target_semaphore(%run_scoped3A : memref<!tpu.dma_semaphore, #tpu.memory_space<semaphore_mem>>)
      %dma_wait3A = arith.constant 0 : i32
      %dma_wait3A_86 = tpu.memref_slice %arg11[%mul3A_79, %dma_wait3A] : memref<10240x16xf32, #tpu.memory_space<vmem_shared>> -> memref<640x16xf32, #tpu.memory_space<vmem_shared>>
      %dma_wait3A_87 = arith.constant 0 : i32
      %dma_wait3A_88 = tpu.memref_slice %arg11[%mul3A_79, %dma_wait3A_87] : memref<10240x16xf32, #tpu.memory_space<vmem_shared>> -> memref<640x16xf32, #tpu.memory_space<vmem_shared>>
      tpu.wait_dma2 semaphore(%run_scoped3A : memref<!tpu.dma_semaphore, #tpu.memory_space<semaphore_mem>>) src(%dma_wait3A_88 : memref<640x16xf32, #tpu.memory_space<vmem_shared>>) dst(%arg9 : memref<640x16xf32, #tpu.memory_space<vmem>>)
      tpu.yield
    }) : () -> ()
    %mul3A_80 = arith.constant 640 : i32
    %mul3A_81 = arith.muli %arg1, %mul3A_80 : i32
    "tpu.region"() ({
      %run_scoped3A = tpu.sem_alloc : memref<!tpu.dma_semaphore, #tpu.memory_space<semaphore_mem>>
      %dma_start3A_82 = arith.constant 0 : i32
      %dma_start3A_83 = tpu.memref_slice %arg5[%arg0, %mul3A_81, %dma_start3A_82] : memref<2x10240x16xf32, #tpu.memory_space<hbm>> -> memref<1x640x16xf32, #tpu.memory_space<hbm>>
      %dma_start3A_84 = tpu.memref_squeeze %dma_start3A_83 : memref<1x640x16xf32, #tpu.memory_space<hbm>> -> memref<640x16xf32, #tpu.memory_space<hbm>>
      %dma_start3A_85 = arith.constant 0 : i32
      %dma_start3A_86 = tpu.memref_slice %arg5[%arg0, %mul3A_81, %dma_start3A_85] : memref<2x10240x16xf32, #tpu.memory_space<hbm>> -> memref<1x640x16xf32, #tpu.memory_space<hbm>>
      %dma_start3A_87 = tpu.memref_squeeze %dma_start3A_86 : memref<1x640x16xf32, #tpu.memory_space<hbm>> -> memref<640x16xf32, #tpu.memory_space<hbm>>
      tpu.enqueue_dma source(%arg9 : memref<640x16xf32, #tpu.memory_space<vmem>>) target(%dma_start3A_87 : memref<640x16xf32, #tpu.memory_space<hbm>>) target_semaphore(%run_scoped3A : memref<!tpu.dma_semaphore, #tpu.memory_space<semaphore_mem>>)
      %dma_wait3A = arith.constant 0 : i32
      %dma_wait3A_88 = tpu.memref_slice %arg5[%arg0, %mul3A_81, %dma_wait3A] : memref<2x10240x16xf32, #tpu.memory_space<hbm>> -> memref<1x640x16xf32, #tpu.memory_space<hbm>>
      %dma_wait3A_89 = tpu.memref_squeeze %dma_wait3A_88 : memref<1x640x16xf32, #tpu.memory_space<hbm>> -> memref<640x16xf32, #tpu.memory_space<hbm>>
      %dma_wait3A_90 = arith.constant 0 : i32
      %dma_wait3A_91 = tpu.memref_slice %arg5[%arg0, %mul3A_81, %dma_wait3A_90] : memref<2x10240x16xf32, #tpu.memory_space<hbm>> -> memref<1x640x16xf32, #tpu.memory_space<hbm>>
      %dma_wait3A_92 = tpu.memref_squeeze %dma_wait3A_91 : memref<1x640x16xf32, #tpu.memory_space<hbm>> -> memref<640x16xf32, #tpu.memory_space<hbm>>
      tpu.wait_dma2 semaphore(%run_scoped3A : memref<!tpu.dma_semaphore, #tpu.memory_space<semaphore_mem>>) src(%arg9 : memref<640x16xf32, #tpu.memory_space<vmem>>) dst(%dma_wait3A_92 : memref<640x16xf32, #tpu.memory_space<hbm>>)
      tpu.yield
    }) : () -> ()
    return
  }
}

#map = affine_map<(d0, d1) -> (0, 0)>
#map1 = affine_map<(d0, d1) -> (0, 0, 0)>
module attributes {stable_mosaic.version = 14 : i64} {
  func.func @sc_degree(%arg0: i32, %arg1: i32, %arg2: memref<2500x128xi32, #tpu.memory_space<hbm>>, %arg3: memref<2x10240x16xf32, #tpu.memory_space<hbm>>, %arg4: memref<79x128xi32, #tpu.memory_space<vmem>>, %arg5: memref<128x16xf32, #tpu.memory_space<vmem>>, %arg6: memref<640x16xf32, #tpu.memory_space<vmem>>, %arg7: memref<10240x16xf32, #tpu.memory_space<vmem_shared>>) attributes {dimension_semantics = [#tpu.dimension_semantics<core_parallel>, #tpu.dimension_semantics<subcore_parallel>], iteration_bounds = array<i64: 2, 16>, scalar_prefetch = 0 : i64, scratch_operands = 4 : i64, tpu.core_type = #tpu.core_type<sc_vector_subcore>, window_params = [{transform_indices = #map}, {transform_indices = #map1}]} {
    %mul3A = arith.constant 16 : i32
    %mul3A_0 = arith.muli %arg0, %mul3A : i32
    %add3A = arith.addi %mul3A_0, %arg1 : i32
    %lt3A = arith.constant 4 : i32
    %lt3A_1 = arith.cmpi slt, %add3A, %lt3A : i32
    %convert_element_type3A = arith.extui %lt3A_1 : i1 to i32
    %cond3A = arith.constant 0 : i32
    %cond3A_2 = arith.cmpi ne, %convert_element_type3A, %cond3A : i32
    scf.if %cond3A_2 {
      %mul3A_41 = arith.constant 79 : i32
      %mul3A_42 = arith.muli %add3A, %mul3A_41 : i32
      "tpu.region"() ({
        %run_scoped3A = tpu.sem_alloc : memref<!tpu.dma_semaphore, #tpu.memory_space<semaphore_mem>>
        %dma_start3A = arith.constant 0 : i32
        %dma_start3A_43 = tpu.memref_slice %arg2[%mul3A_42, %dma_start3A] : memref<2500x128xi32, #tpu.memory_space<hbm>> -> memref<79x128xi32, #tpu.memory_space<hbm>>
        %dma_start3A_44 = arith.constant 0 : i32
        %dma_start3A_45 = tpu.memref_slice %arg2[%mul3A_42, %dma_start3A_44] : memref<2500x128xi32, #tpu.memory_space<hbm>> -> memref<79x128xi32, #tpu.memory_space<hbm>>
        tpu.enqueue_dma source(%dma_start3A_45 : memref<79x128xi32, #tpu.memory_space<hbm>>) target(%arg4 : memref<79x128xi32, #tpu.memory_space<vmem>>) target_semaphore(%run_scoped3A : memref<!tpu.dma_semaphore, #tpu.memory_space<semaphore_mem>>)
        %dma_wait3A = arith.constant 0 : i32
        %dma_wait3A_46 = tpu.memref_slice %arg2[%mul3A_42, %dma_wait3A] : memref<2500x128xi32, #tpu.memory_space<hbm>> -> memref<79x128xi32, #tpu.memory_space<hbm>>
        %dma_wait3A_47 = arith.constant 0 : i32
        %dma_wait3A_48 = tpu.memref_slice %arg2[%mul3A_42, %dma_wait3A_47] : memref<2500x128xi32, #tpu.memory_space<hbm>> -> memref<79x128xi32, #tpu.memory_space<hbm>>
        tpu.wait_dma2 semaphore(%run_scoped3A : memref<!tpu.dma_semaphore, #tpu.memory_space<semaphore_mem>>) src(%dma_wait3A_48 : memref<79x128xi32, #tpu.memory_space<hbm>>) dst(%arg4 : memref<79x128xi32, #tpu.memory_space<vmem>>)
        tpu.yield
      }) : () -> ()
    } else {
    }
    %ge3A = arith.constant 4 : i32
    %ge3A_3 = arith.cmpi sge, %add3A, %ge3A : i32
    %convert_element_type3A_4 = arith.extui %ge3A_3 : i1 to i32
    %cond3A_5 = arith.constant 0 : i32
    %cond3A_6 = arith.cmpi ne, %convert_element_type3A_4, %cond3A_5 : i32
    scf.if %cond3A_6 {
      %mul3A_41 = arith.constant 78 : i32
      %mul3A_42 = arith.muli %add3A, %mul3A_41 : i32
      %add3A_43 = arith.constant 4 : i32
      %add3A_44 = arith.addi %add3A_43, %mul3A_42 : i32
      "tpu.region"() ({
        %run_scoped3A = tpu.sem_alloc : memref<!tpu.dma_semaphore, #tpu.memory_space<semaphore_mem>>
        %dma_start3A = arith.constant 0 : i32
        %dma_start3A_45 = arith.constant 0 : i32
        %dma_start3A_46 = tpu.memref_slice %arg4[%dma_start3A, %dma_start3A_45] : memref<79x128xi32, #tpu.memory_space<vmem>> -> memref<78x128xi32, #tpu.memory_space<vmem>>
        %dma_start3A_47 = arith.constant 0 : i32
        %dma_start3A_48 = tpu.memref_slice %arg2[%add3A_44, %dma_start3A_47] : memref<2500x128xi32, #tpu.memory_space<hbm>> -> memref<78x128xi32, #tpu.memory_space<hbm>>
        %dma_start3A_49 = arith.constant 0 : i32
        %dma_start3A_50 = arith.constant 0 : i32
        %dma_start3A_51 = tpu.memref_slice %arg4[%dma_start3A_49, %dma_start3A_50] : memref<79x128xi32, #tpu.memory_space<vmem>> -> memref<78x128xi32, #tpu.memory_space<vmem>>
        %dma_start3A_52 = arith.constant 0 : i32
        %dma_start3A_53 = tpu.memref_slice %arg2[%add3A_44, %dma_start3A_52] : memref<2500x128xi32, #tpu.memory_space<hbm>> -> memref<78x128xi32, #tpu.memory_space<hbm>>
        tpu.enqueue_dma source(%dma_start3A_53 : memref<78x128xi32, #tpu.memory_space<hbm>>) target(%dma_start3A_51 : memref<78x128xi32, #tpu.memory_space<vmem>>) target_semaphore(%run_scoped3A : memref<!tpu.dma_semaphore, #tpu.memory_space<semaphore_mem>>)
        %dma_wait3A = arith.constant 0 : i32
        %dma_wait3A_54 = arith.constant 0 : i32
        %dma_wait3A_55 = tpu.memref_slice %arg4[%dma_wait3A, %dma_wait3A_54] : memref<79x128xi32, #tpu.memory_space<vmem>> -> memref<78x128xi32, #tpu.memory_space<vmem>>
        %dma_wait3A_56 = arith.constant 0 : i32
        %dma_wait3A_57 = tpu.memref_slice %arg2[%add3A_44, %dma_wait3A_56] : memref<2500x128xi32, #tpu.memory_space<hbm>> -> memref<78x128xi32, #tpu.memory_space<hbm>>
        %dma_wait3A_58 = arith.constant 0 : i32
        %dma_wait3A_59 = arith.constant 0 : i32
        %dma_wait3A_60 = tpu.memref_slice %arg4[%dma_wait3A_58, %dma_wait3A_59] : memref<79x128xi32, #tpu.memory_space<vmem>> -> memref<78x128xi32, #tpu.memory_space<vmem>>
        %dma_wait3A_61 = arith.constant 0 : i32
        %dma_wait3A_62 = tpu.memref_slice %arg2[%add3A_44, %dma_wait3A_61] : memref<2500x128xi32, #tpu.memory_space<hbm>> -> memref<78x128xi32, #tpu.memory_space<hbm>>
        tpu.wait_dma2 semaphore(%run_scoped3A : memref<!tpu.dma_semaphore, #tpu.memory_space<semaphore_mem>>) src(%dma_wait3A_62 : memref<78x128xi32, #tpu.memory_space<hbm>>) dst(%dma_wait3A_60 : memref<78x128xi32, #tpu.memory_space<vmem>>)
        tpu.yield
      }) : () -> ()
    } else {
    }
    %lt3A_7 = arith.constant 4 : i32
    %lt3A_8 = arith.cmpi slt, %add3A, %lt3A_7 : i32
    %jit3A = arith.constant 79 : i32
    %jit3A_9 = arith.constant 78 : i32
    %select_n3A = arith.select %lt3A_8, %jit3A, %jit3A_9 : i32
    %scan3A = arith.constant 0 : i32
    %scan3A_10 = arith.constant 0 : i32
    %scan3A_11 = arith.constant 128 : i32
    %scan3A_12 = arith.addi %scan3A_10, %scan3A_11 : i32
    %scan3A_13 = arith.constant 1 : i32
    %scan3A_14 = scf.for %scan3A_41 = %scan3A_10 to %scan3A_12 step %scan3A_13 iter_args(%scan3A_42 = %scan3A) -> (i32)  : i32 {
      %broadcast_in_dim3A = arith.constant 1.000000e+00 : f32
      %broadcast_in_dim3A_43 = vector.broadcast %broadcast_in_dim3A : f32 to vector<16xf32>
      %swap3A = arith.index_cast %scan3A_41 : i32 to index
      %swap3A_44 = arith.constant 0 : index
      %swap3A_45 = tpu.vector_load %arg5[%swap3A, %swap3A_44] {strides = array<i32>} : memref<128x16xf32, #tpu.memory_space<vmem>>, vector<1x16xf32>,
      %swap3A_46 = vector.shape_cast %swap3A_45 : vector<1x16xf32> to vector<16xf32>
      %swap3A_47 = vector.shape_cast %broadcast_in_dim3A_43 : vector<16xf32> to vector<1x16xf32>
      tpu.vector_store %arg5[%swap3A, %swap3A_44], %swap3A_47 {strides = array<i32>} : memref<128x16xf32, #tpu.memory_space<vmem>>, vector<1x16xf32>,
      %scan3A_48 = arith.constant 0 : i32
      scf.yield %scan3A_48 : i32
    }
    %scan3A_15 = arith.constant 128 : i32
    %scan3A_16 = arith.constant 0 : i32
    %scan3A_17 = arith.constant 0 : i32
    %scan3A_18 = arith.constant 640 : i32
    %scan3A_19 = arith.addi %scan3A_17, %scan3A_18 : i32
    %scan3A_20 = arith.constant 1 : i32
    %scan3A_21 = scf.for %scan3A_41 = %scan3A_17 to %scan3A_19 step %scan3A_20 iter_args(%scan3A_42 = %scan3A_16) -> (i32)  : i32 {
      %broadcast_in_dim3A = arith.constant 0.000000e+00 : f32
      %broadcast_in_dim3A_43 = vector.broadcast %broadcast_in_dim3A : f32 to vector<16xf32>
      %swap3A = arith.index_cast %scan3A_41 : i32 to index
      %swap3A_44 = arith.constant 0 : index
      %swap3A_45 = tpu.vector_load %arg6[%swap3A, %swap3A_44] {strides = array<i32>} : memref<640x16xf32, #tpu.memory_space<vmem>>, vector<1x16xf32>,
      %swap3A_46 = vector.shape_cast %swap3A_45 : vector<1x16xf32> to vector<16xf32>
      %swap3A_47 = vector.shape_cast %broadcast_in_dim3A_43 : vector<16xf32> to vector<1x16xf32>
      tpu.vector_store %arg6[%swap3A, %swap3A_44], %swap3A_47 {strides = array<i32>} : memref<640x16xf32, #tpu.memory_space<vmem>>, vector<1x16xf32>,
      %scan3A_48 = arith.constant 0 : i32
      scf.yield %scan3A_48 : i32
    }
    %scan3A_22 = arith.constant 640 : i32
    %mul3A_23 = arith.constant 640 : i32
    %mul3A_24 = arith.muli %arg1, %mul3A_23 : i32
    "tpu.region"() ({
      %run_scoped3A = tpu.sem_alloc : memref<!tpu.dma_semaphore, #tpu.memory_space<semaphore_mem>>
      %dma_start3A = arith.constant 0 : i32
      %dma_start3A_41 = tpu.memref_slice %arg7[%mul3A_24, %dma_start3A] : memref<10240x16xf32, #tpu.memory_space<vmem_shared>> -> memref<640x16xf32, #tpu.memory_space<vmem_shared>>
      %dma_start3A_42 = arith.constant 0 : i32
      %dma_start3A_43 = tpu.memref_slice %arg7[%mul3A_24, %dma_start3A_42] : memref<10240x16xf32, #tpu.memory_space<vmem_shared>> -> memref<640x16xf32, #tpu.memory_space<vmem_shared>>
      tpu.enqueue_dma source(%arg6 : memref<640x16xf32, #tpu.memory_space<vmem>>) target(%dma_start3A_43 : memref<640x16xf32, #tpu.memory_space<vmem_shared>>) target_semaphore(%run_scoped3A : memref<!tpu.dma_semaphore, #tpu.memory_space<semaphore_mem>>)
      %dma_wait3A = arith.constant 0 : i32
      %dma_wait3A_44 = tpu.memref_slice %arg7[%mul3A_24, %dma_wait3A] : memref<10240x16xf32, #tpu.memory_space<vmem_shared>> -> memref<640x16xf32, #tpu.memory_space<vmem_shared>>
      %dma_wait3A_45 = arith.constant 0 : i32
      %dma_wait3A_46 = tpu.memref_slice %arg7[%mul3A_24, %dma_wait3A_45] : memref<10240x16xf32, #tpu.memory_space<vmem_shared>> -> memref<640x16xf32, #tpu.memory_space<vmem_shared>>
      tpu.wait_dma2 semaphore(%run_scoped3A : memref<!tpu.dma_semaphore, #tpu.memory_space<semaphore_mem>>) src(%arg6 : memref<640x16xf32, #tpu.memory_space<vmem>>) dst(%dma_wait3A_46 : memref<640x16xf32, #tpu.memory_space<vmem_shared>>)
      tpu.yield
    }) : () -> ()
    %barrier3A = arith.constant 0 : index
    tpu.barrier barrier_id(%barrier3A)
    %while3A = arith.constant 0 : i32
    %while3A_25 = arith.constant 0 : i32
    %while3A_26 = arith.subi %select_n3A, %while3A : i32
    %while3A_27 = arith.addi %while3A, %while3A_26 : i32
    %while3A_28 = arith.constant 1 : i32
    %while3A_29 = arith.divsi %while3A_26, %while3A_28 : i32
    %while3A_30 = arith.muli %while3A_29, %while3A_28 : i32
    %while3A_31 = arith.addi %while3A, %while3A_30 : i32
    %while3A_32 = arith.constant 1 : i32
    %while3A_33 = scf.for %while3A_41 = %while3A to %while3A_31 step %while3A_32 iter_args(%while3A_42 = %while3A_25) -> (i32)  : i32 {
      "tpu.region"() ({
        %run_scoped3A = tpu.sem_alloc : memref<!tpu.dma_semaphore, #tpu.memory_space<semaphore_mem>>
        %dma_start3A = arith.constant 0 : i32
        %dma_start3A_44 = tpu.memref_slice %arg4[%while3A_41, %dma_start3A] : memref<79x128xi32, #tpu.memory_space<vmem>> -> memref<1x128xi32, #tpu.memory_space<vmem>>
        %dma_start3A_45 = tpu.memref_squeeze %dma_start3A_44 : memref<1x128xi32, #tpu.memory_space<vmem>> -> memref<128xi32, #tpu.memory_space<vmem>>
        %dma_start3A_46 = arith.constant 0 : i32
        %dma_start3A_47 = arith.constant 0 : i32
        %dma_start3A_48 = tpu.memref_slice %arg7[%dma_start3A_46, %dma_start3A_47] : memref<10240x16xf32, #tpu.memory_space<vmem_shared>> -> memref<10240x16xf32, #tpu.memory_space<vmem_shared>>
        tpu.enqueue_indirect_dma source(%arg5 : memref<128x16xf32, #tpu.memory_space<vmem>>) target(%dma_start3A_48 : memref<10240x16xf32, #tpu.memory_space<vmem_shared>>) offsets(%dma_start3A_45 : memref<128xi32, #tpu.memory_space<vmem>>) semaphore(%run_scoped3A : memref<!tpu.dma_semaphore, #tpu.memory_space<semaphore_mem>>) {add = true}
        %dma_wait3A = arith.constant 0 : i32
        %dma_wait3A_49 = tpu.memref_slice %arg4[%while3A_41, %dma_wait3A] : memref<79x128xi32, #tpu.memory_space<vmem>> -> memref<1x128xi32, #tpu.memory_space<vmem>>
        %dma_wait3A_50 = tpu.memref_squeeze %dma_wait3A_49 : memref<1x128xi32, #tpu.memory_space<vmem>> -> memref<128xi32, #tpu.memory_space<vmem>>
        %dma_wait3A_51 = arith.constant 0 : i32
        %dma_wait3A_52 = arith.constant 0 : i32
        %dma_wait3A_53 = tpu.memref_slice %arg7[%dma_wait3A_51, %dma_wait3A_52] : memref<10240x16xf32, #tpu.memory_space<vmem_shared>> -> memref<10240x16xf32, #tpu.memory_space<vmem_shared>>
        tpu.wait_indirect_dma semaphore(%run_scoped3A : memref<!tpu.dma_semaphore, #tpu.memory_space<semaphore_mem>>) src(%arg5 : memref<128x16xf32, #tpu.memory_space<vmem>>) dst(%dma_wait3A_53 : memref<10240x16xf32, #tpu.memory_space<vmem_shared>>)
        tpu.yield
      }) : () -> ()
      %while3A_43 = arith.constant 0 : i32
      scf.yield %while3A_43 : i32
    }
    %while3A_34 = arith.constant 1 : i32
    %while3A_35 = scf.for %while3A_41 = %while3A_31 to %while3A_27 step %while3A_34 iter_args(%while3A_42 = %while3A_33) -> (i32)  : i32 {
      "tpu.region"() ({
        %run_scoped3A = tpu.sem_alloc : memref<!tpu.dma_semaphore, #tpu.memory_space<semaphore_mem>>
        %dma_start3A = arith.constant 0 : i32
        %dma_start3A_44 = tpu.memref_slice %arg4[%while3A_41, %dma_start3A] : memref<79x128xi32, #tpu.memory_space<vmem>> -> memref<1x128xi32, #tpu.memory_space<vmem>>
        %dma_start3A_45 = tpu.memref_squeeze %dma_start3A_44 : memref<1x128xi32, #tpu.memory_space<vmem>> -> memref<128xi32, #tpu.memory_space<vmem>>
        %dma_start3A_46 = arith.constant 0 : i32
        %dma_start3A_47 = arith.constant 0 : i32
        %dma_start3A_48 = tpu.memref_slice %arg7[%dma_start3A_46, %dma_start3A_47] : memref<10240x16xf32, #tpu.memory_space<vmem_shared>> -> memref<10240x16xf32, #tpu.memory_space<vmem_shared>>
        tpu.enqueue_indirect_dma source(%arg5 : memref<128x16xf32, #tpu.memory_space<vmem>>) target(%dma_start3A_48 : memref<10240x16xf32, #tpu.memory_space<vmem_shared>>) offsets(%dma_start3A_45 : memref<128xi32, #tpu.memory_space<vmem>>) semaphore(%run_scoped3A : memref<!tpu.dma_semaphore, #tpu.memory_space<semaphore_mem>>) {add = true}
        %dma_wait3A = arith.constant 0 : i32
        %dma_wait3A_49 = tpu.memref_slice %arg4[%while3A_41, %dma_wait3A] : memref<79x128xi32, #tpu.memory_space<vmem>> -> memref<1x128xi32, #tpu.memory_space<vmem>>
        %dma_wait3A_50 = tpu.memref_squeeze %dma_wait3A_49 : memref<1x128xi32, #tpu.memory_space<vmem>> -> memref<128xi32, #tpu.memory_space<vmem>>
        %dma_wait3A_51 = arith.constant 0 : i32
        %dma_wait3A_52 = arith.constant 0 : i32
        %dma_wait3A_53 = tpu.memref_slice %arg7[%dma_wait3A_51, %dma_wait3A_52] : memref<10240x16xf32, #tpu.memory_space<vmem_shared>> -> memref<10240x16xf32, #tpu.memory_space<vmem_shared>>
        tpu.wait_indirect_dma semaphore(%run_scoped3A : memref<!tpu.dma_semaphore, #tpu.memory_space<semaphore_mem>>) src(%arg5 : memref<128x16xf32, #tpu.memory_space<vmem>>) dst(%dma_wait3A_53 : memref<10240x16xf32, #tpu.memory_space<vmem_shared>>)
        tpu.yield
      }) : () -> ()
      %while3A_43 = arith.constant 0 : i32
      scf.yield %while3A_43 : i32
    }
    %barrier3A_36 = arith.constant 0 : index
    tpu.barrier barrier_id(%barrier3A_36)
    %mul3A_37 = arith.constant 640 : i32
    %mul3A_38 = arith.muli %arg1, %mul3A_37 : i32
    "tpu.region"() ({
      %run_scoped3A = tpu.sem_alloc : memref<!tpu.dma_semaphore, #tpu.memory_space<semaphore_mem>>
      %dma_start3A = arith.constant 0 : i32
      %dma_start3A_41 = tpu.memref_slice %arg7[%mul3A_38, %dma_start3A] : memref<10240x16xf32, #tpu.memory_space<vmem_shared>> -> memref<640x16xf32, #tpu.memory_space<vmem_shared>>
      %dma_start3A_42 = arith.constant 0 : i32
      %dma_start3A_43 = tpu.memref_slice %arg7[%mul3A_38, %dma_start3A_42] : memref<10240x16xf32, #tpu.memory_space<vmem_shared>> -> memref<640x16xf32, #tpu.memory_space<vmem_shared>>
      tpu.enqueue_dma source(%dma_start3A_43 : memref<640x16xf32, #tpu.memory_space<vmem_shared>>) target(%arg6 : memref<640x16xf32, #tpu.memory_space<vmem>>) target_semaphore(%run_scoped3A : memref<!tpu.dma_semaphore, #tpu.memory_space<semaphore_mem>>)
      %dma_wait3A = arith.constant 0 : i32
      %dma_wait3A_44 = tpu.memref_slice %arg7[%mul3A_38, %dma_wait3A] : memref<10240x16xf32, #tpu.memory_space<vmem_shared>> -> memref<640x16xf32, #tpu.memory_space<vmem_shared>>
      %dma_wait3A_45 = arith.constant 0 : i32
      %dma_wait3A_46 = tpu.memref_slice %arg7[%mul3A_38, %dma_wait3A_45] : memref<10240x16xf32, #tpu.memory_space<vmem_shared>> -> memref<640x16xf32, #tpu.memory_space<vmem_shared>>
      tpu.wait_dma2 semaphore(%run_scoped3A : memref<!tpu.dma_semaphore, #tpu.memory_space<semaphore_mem>>) src(%dma_wait3A_46 : memref<640x16xf32, #tpu.memory_space<vmem_shared>>) dst(%arg6 : memref<640x16xf32, #tpu.memory_space<vmem>>)
      tpu.yield
    }) : () -> ()
    %mul3A_39 = arith.constant 640 : i32
    %mul3A_40 = arith.muli %arg1, %mul3A_39 : i32
    "tpu.region"() ({
      %run_scoped3A = tpu.sem_alloc : memref<!tpu.dma_semaphore, #tpu.memory_space<semaphore_mem>>
      %dma_start3A = arith.constant 0 : i32
      %dma_start3A_41 = tpu.memref_slice %arg3[%arg0, %mul3A_40, %dma_start3A] : memref<2x10240x16xf32, #tpu.memory_space<hbm>> -> memref<1x640x16xf32, #tpu.memory_space<hbm>>
      %dma_start3A_42 = tpu.memref_squeeze %dma_start3A_41 : memref<1x640x16xf32, #tpu.memory_space<hbm>> -> memref<640x16xf32, #tpu.memory_space<hbm>>
      %dma_start3A_43 = arith.constant 0 : i32
      %dma_start3A_44 = tpu.memref_slice %arg3[%arg0, %mul3A_40, %dma_start3A_43] : memref<2x10240x16xf32, #tpu.memory_space<hbm>> -> memref<1x640x16xf32, #tpu.memory_space<hbm>>
      %dma_start3A_45 = tpu.memref_squeeze %dma_start3A_44 : memref<1x640x16xf32, #tpu.memory_space<hbm>> -> memref<640x16xf32, #tpu.memory_space<hbm>>
      tpu.enqueue_dma source(%arg6 : memref<640x16xf32, #tpu.memory_space<vmem>>) target(%dma_start3A_45 : memref<640x16xf32, #tpu.memory_space<hbm>>) target_semaphore(%run_scoped3A : memref<!tpu.dma_semaphore, #tpu.memory_space<semaphore_mem>>)
      %dma_wait3A = arith.constant 0 : i32
      %dma_wait3A_46 = tpu.memref_slice %arg3[%arg0, %mul3A_40, %dma_wait3A] : memref<2x10240x16xf32, #tpu.memory_space<hbm>> -> memref<1x640x16xf32, #tpu.memory_space<hbm>>
      %dma_wait3A_47 = tpu.memref_squeeze %dma_wait3A_46 : memref<1x640x16xf32, #tpu.memory_space<hbm>> -> memref<640x16xf32, #tpu.memory_space<hbm>>
      %dma_wait3A_48 = arith.constant 0 : i32
      %dma_wait3A_49 = tpu.memref_slice %arg3[%arg0, %mul3A_40, %dma_wait3A_48] : memref<2x10240x16xf32, #tpu.memory_space<hbm>> -> memref<1x640x16xf32, #tpu.memory_space<hbm>>
      %dma_wait3A_50 = tpu.memref_squeeze %dma_wait3A_49 : memref<1x640x16xf32, #tpu.memory_space<hbm>> -> memref<640x16xf32, #tpu.memory_space<hbm>>
      tpu.wait_dma2 semaphore(%run_scoped3A : memref<!tpu.dma_semaphore, #tpu.memory_space<semaphore_mem>>) src(%arg6 : memref<640x16xf32, #tpu.memory_space<vmem>>) dst(%dma_wait3A_50 : memref<640x16xf32, #tpu.memory_space<hbm>>)
      tpu.yield
    }) : () -> ()
    return
  }
}

module attributes {stable_mosaic.version = 14 : i64} {
  func.func @_tc1_body(%arg0: i32, %arg1: memref<1000x128xf32, #tpu.memory_space<vmem>>, %arg2: memref<128x16xf32, #tpu.memory_space<vmem>>, %arg3: memref<1x1000x16xf32, #tpu.memory_space<vmem>>, %arg4: memref<1x1000x16xf32, #tpu.memory_space<vmem>>, %arg5: memref<1000x16xf32, #tpu.memory_space<vmem>>, %arg6: memref<1000x16xf32, #tpu.memory_space<vmem>>) attributes {dimension_semantics = [#tpu.dimension_semantics<arbitrary>], iteration_bounds = array<i64: 10>, scalar_prefetch = 0 : i64, scratch_operands = 0 : i64, tpu.core_type = #tpu.core_type<tc>, window_params = [{transform_indices = @transform_0, window_bounds = array<i64: 1000, 128>}, {pipeline_mode = #tpu.pipeline_mode<synchronous>, transform_indices = @transform_1, window_bounds = array<i64: 128, 16>}, {transform_indices = @transform_2, window_bounds = array<i64: 1, 1000, 16>}, {transform_indices = @transform_3, window_bounds = array<i64: 1, 1000, 16>}, {transform_indices = @transform_4, window_bounds = array<i64: 1000, 16>}, {transform_indices = @transform_5, window_bounds = array<i64: 1000, 16>}]} {
    %get3A = arith.constant 0 : index
    %get3A_0 = arith.constant 0 : index
    %get3A_1 = arith.constant 0 : index
    %get3A_2 = vector.load %arg3[%get3A, %get3A_0, %get3A_1] : memref<1x1000x16xf32, #tpu.memory_space<vmem>>, vector<1x1000x1xf32>
    %get3A_3 = vector.shape_cast %get3A_2 : vector<1x1000x1xf32> to vector<1000x1xf32>
    %get3A_4 = arith.constant 0 : index
    %get3A_5 = arith.constant 0 : index
    %get3A_6 = arith.constant 0 : index
    %get3A_7 = vector.load %arg4[%get3A_4, %get3A_5, %get3A_6] : memref<1x1000x16xf32, #tpu.memory_space<vmem>>, vector<1x1000x1xf32>
    %get3A_8 = vector.shape_cast %get3A_7 : vector<1x1000x1xf32> to vector<1000x1xf32>
    %add3A = arith.addf %get3A_3, %get3A_8 : vector<1000x1xf32>
    %add3A_9 = arith.constant 1.000000e+00 : f32
    %add3A_10 = vector.broadcast %add3A_9 : f32 to vector<1000x1xf32>
    %add3A_11 = arith.addf %add3A, %add3A_10 : vector<1000x1xf32>
    %rsqrt3A = math.rsqrt %add3A_11 : vector<1000x1xf32>
    %get3A_12 = arith.constant 0 : index
    %get3A_13 = arith.constant 0 : index
    %get3A_14 = vector.load %arg1[%get3A_12, %get3A_13] : memref<1000x128xf32, #tpu.memory_space<vmem>>, vector<1000x128xf32>
    %get3A_15 = arith.constant 0 : index
    %get3A_16 = arith.constant 0 : index
    %get3A_17 = vector.load %arg2[%get3A_15, %get3A_16] : memref<128x16xf32, #tpu.memory_space<vmem>>, vector<128x16xf32>
    %dot_general3A = arith.constant dense<0.000000e+00> : vector<1000x16xf32>
    %dot_general3A_18 = tpu.matmul %get3A_14, %get3A_17, %dot_general3A {dimension_numbers = #tpu.dot_dimension_numbers<[1], [0], [0], [1], [0, 0, 1, 1], [], []>, transpose_lhs_hint = false} : vector<1000x128xf32>, vector<128x16xf32>, vector<1000x16xf32> -> vector<1000x16xf32>
    %mul3A = vector.broadcast %rsqrt3A : vector<1000x1xf32> to vector<1000x16xf32>
    %mul3A_19 = arith.mulf %dot_general3A_18, %mul3A : vector<1000x16xf32>
    %swap3A = arith.constant 0 : index
    %swap3A_20 = arith.constant 0 : index
    %swap3A_21 = vector.load %arg5[%swap3A, %swap3A_20] : memref<1000x16xf32, #tpu.memory_space<vmem>>, vector<1000x16xf32>
    tpu.vector_store %arg5[%swap3A, %swap3A_20], %mul3A_19 {strides = array<i32>} : memref<1000x16xf32, #tpu.memory_space<vmem>>, vector<1000x16xf32>,
    %broadcast_in_dim3A = vector.shape_cast %rsqrt3A : vector<1000x1xf32> to vector<1000x1xf32>
    %broadcast_in_dim3A_22 = vector.broadcast %broadcast_in_dim3A : vector<1000x1xf32> to vector<1000x16xf32>
    %swap3A_23 = arith.constant 0 : index
    %swap3A_24 = arith.constant 0 : index
    %swap3A_25 = vector.load %arg6[%swap3A_23, %swap3A_24] : memref<1000x16xf32, #tpu.memory_space<vmem>>, vector<1000x16xf32>
    tpu.vector_store %arg6[%swap3A_23, %swap3A_24], %broadcast_in_dim3A_22 {strides = array<i32>} : memref<1000x16xf32, #tpu.memory_space<vmem>>, vector<1000x16xf32>,
    return
  }
  func.func @transform_0(%arg0: i32) -> (i32, i32) {
    %c0_i32 = arith.constant 0 : i32
    %c0_i32_0 = arith.constant 0 : i32
    return %arg0, %c0_i32 : i32, i32
  }
  func.func @transform_1(%arg0: i32) -> (i32, i32) {
    %c0_i32 = arith.constant 0 : i32
    %c0_i32_0 = arith.constant 0 : i32
    %c0_i32_1 = arith.constant 0 : i32
    return %c0_i32, %c0_i32_0 : i32, i32
  }
  func.func @transform_2(%arg0: i32) -> (i32, i32, i32) {
    %c0_i32 = arith.constant 0 : i32
    %c0_i32_0 = arith.constant 0 : i32
    %c0_i32_1 = arith.constant 0 : i32
    return %c0_i32, %arg0, %c0_i32_0 : i32, i32, i32
  }
  func.func @transform_3(%arg0: i32) -> (i32, i32, i32) {
    %c1_i32 = arith.constant 1 : i32
    %c0_i32 = arith.constant 0 : i32
    %c0_i32_0 = arith.constant 0 : i32
    return %c1_i32, %arg0, %c0_i32 : i32, i32, i32
  }
  func.func @transform_4(%arg0: i32) -> (i32, i32) {
    %c0_i32 = arith.constant 0 : i32
    %c0_i32_0 = arith.constant 0 : i32
    return %arg0, %c0_i32 : i32, i32
  }
  func.func @transform_5(%arg0: i32) -> (i32, i32) {
    %c0_i32 = arith.constant 0 : i32
    %c0_i32_0 = arith.constant 0 : i32
    return %arg0, %c0_i32 : i32, i32
  }
}

module attributes {stable_mosaic.version = 14 : i64} {
  func.func @_tc2_body(%arg0: i32, %arg1: memref<1x1000x16xf32, #tpu.memory_space<vmem>>, %arg2: memref<1x1000x16xf32, #tpu.memory_space<vmem>>, %arg3: memref<1000x16xf32, #tpu.memory_space<vmem>>, %arg4: memref<1000x16xf32, #tpu.memory_space<vmem>>, %arg5: memref<1x16xf32, #tpu.memory_space<vmem>>, %arg6: memref<16x16xf32, #tpu.memory_space<vmem>>, %arg7: memref<1000x16xf32, #tpu.memory_space<vmem>>) attributes {dimension_semantics = [#tpu.dimension_semantics<arbitrary>], iteration_bounds = array<i64: 10>, scalar_prefetch = 0 : i64, scratch_operands = 0 : i64, tpu.core_type = #tpu.core_type<tc>, window_params = [{transform_indices = @transform_0, window_bounds = array<i64: 1, 1000, 16>}, {transform_indices = @transform_1, window_bounds = array<i64: 1, 1000, 16>}, {transform_indices = @transform_2, window_bounds = array<i64: 1000, 16>}, {transform_indices = @transform_3, window_bounds = array<i64: 1000, 16>}, {pipeline_mode = #tpu.pipeline_mode<synchronous>, transform_indices = @transform_4, window_bounds = array<i64: 1, 16>}, {pipeline_mode = #tpu.pipeline_mode<synchronous>, transform_indices = @transform_5, window_bounds = array<i64: 16, 16>}, {transform_indices = @transform_6, window_bounds = array<i64: 1000, 16>}]} {
    %get3A = arith.constant 0 : index
    %get3A_0 = arith.constant 0 : index
    %get3A_1 = arith.constant 0 : index
    %get3A_2 = vector.load %arg1[%get3A, %get3A_0, %get3A_1] : memref<1x1000x16xf32, #tpu.memory_space<vmem>>, vector<1x1000x16xf32>
    %get3A_3 = vector.shape_cast %get3A_2 : vector<1x1000x16xf32> to vector<1000x16xf32>
    %get3A_4 = arith.constant 0 : index
    %get3A_5 = arith.constant 0 : index
    %get3A_6 = arith.constant 0 : index
    %get3A_7 = vector.load %arg2[%get3A_4, %get3A_5, %get3A_6] : memref<1x1000x16xf32, #tpu.memory_space<vmem>>, vector<1x1000x16xf32>
    %get3A_8 = vector.shape_cast %get3A_7 : vector<1x1000x16xf32> to vector<1000x16xf32>
    %add3A = arith.addf %get3A_3, %get3A_8 : vector<1000x16xf32>
    %get3A_9 = arith.constant 0 : index
    %get3A_10 = arith.constant 0 : index
    %get3A_11 = vector.load %arg3[%get3A_9, %get3A_10] : memref<1000x16xf32, #tpu.memory_space<vmem>>, vector<1000x16xf32>
    %add3A_12 = arith.addf %add3A, %get3A_11 : vector<1000x16xf32>
    %get3A_13 = arith.constant 0 : index
    %get3A_14 = arith.constant 0 : index
    %get3A_15 = vector.load %arg4[%get3A_13, %get3A_14] : memref<1000x16xf32, #tpu.memory_space<vmem>>, vector<1000x16xf32>
    %mul3A = arith.mulf %get3A_15, %add3A_12 : vector<1000x16xf32>
    %get3A_16 = arith.constant 0 : index
    %get3A_17 = arith.constant 0 : index
    %get3A_18 = vector.load %arg5[%get3A_16, %get3A_17] : memref<1x16xf32, #tpu.memory_space<vmem>>, vector<1x16xf32>
    %add3A_19 = vector.broadcast %get3A_18 : vector<1x16xf32> to vector<1000x16xf32>
    %add3A_20 = arith.addf %mul3A, %add3A_19 : vector<1000x16xf32>
    %max3A = arith.constant 0.000000e+00 : f32
    %max3A_21 = vector.broadcast %max3A : f32 to vector<1000x16xf32>
    %max3A_22 = arith.maximumf %add3A_20, %max3A_21 : vector<1000x16xf32>
    %get3A_23 = arith.constant 0 : index
    %get3A_24 = arith.constant 0 : index
    %get3A_25 = vector.load %arg6[%get3A_23, %get3A_24] : memref<16x16xf32, #tpu.memory_space<vmem>>, vector<16x16xf32>
    %dot_general3A = arith.constant dense<0.000000e+00> : vector<1000x16xf32>
    %dot_general3A_26 = tpu.matmul %max3A_22, %get3A_25, %dot_general3A {dimension_numbers = #tpu.dot_dimension_numbers<[1], [0], [0], [1], [0, 0, 1, 1], [], []>, transpose_lhs_hint = false} : vector<1000x16xf32>, vector<16x16xf32>, vector<1000x16xf32> -> vector<1000x16xf32>
    %mul3A_27 = arith.mulf %get3A_15, %dot_general3A_26 : vector<1000x16xf32>
    %swap3A = arith.constant 0 : index
    %swap3A_28 = arith.constant 0 : index
    %swap3A_29 = vector.load %arg7[%swap3A, %swap3A_28] : memref<1000x16xf32, #tpu.memory_space<vmem>>, vector<1000x16xf32>
    tpu.vector_store %arg7[%swap3A, %swap3A_28], %mul3A_27 {strides = array<i32>} : memref<1000x16xf32, #tpu.memory_space<vmem>>, vector<1000x16xf32>,
    return
  }
  func.func @transform_0(%arg0: i32) -> (i32, i32, i32) {
    %c0_i32 = arith.constant 0 : i32
    %c0_i32_0 = arith.constant 0 : i32
    %c0_i32_1 = arith.constant 0 : i32
    return %c0_i32, %arg0, %c0_i32_0 : i32, i32, i32
  }
  func.func @transform_1(%arg0: i32) -> (i32, i32, i32) {
    %c1_i32 = arith.constant 1 : i32
    %c0_i32 = arith.constant 0 : i32
    %c0_i32_0 = arith.constant 0 : i32
    return %c1_i32, %arg0, %c0_i32 : i32, i32, i32
  }
  func.func @transform_2(%arg0: i32) -> (i32, i32) {
    %c0_i32 = arith.constant 0 : i32
    %c0_i32_0 = arith.constant 0 : i32
    return %arg0, %c0_i32 : i32, i32
  }
  func.func @transform_3(%arg0: i32) -> (i32, i32) {
    %c0_i32 = arith.constant 0 : i32
    %c0_i32_0 = arith.constant 0 : i32
    return %arg0, %c0_i32 : i32, i32
  }
  func.func @transform_4(%arg0: i32) -> (i32, i32) {
    %c0_i32 = arith.constant 0 : i32
    %c0_i32_0 = arith.constant 0 : i32
    %c0_i32_1 = arith.constant 0 : i32
    return %c0_i32, %c0_i32_0 : i32, i32
  }
  func.func @transform_5(%arg0: i32) -> (i32, i32) {
    %c0_i32 = arith.constant 0 : i32
    %c0_i32_0 = arith.constant 0 : i32
    %c0_i32_1 = arith.constant 0 : i32
    return %c0_i32, %c0_i32_0 : i32, i32
  }
  func.func @transform_6(%arg0: i32) -> (i32, i32) {
    %c0_i32 = arith.constant 0 : i32
    %c0_i32_0 = arith.constant 0 : i32
    return %arg0, %c0_i32 : i32, i32
  }
}

module attributes {stable_mosaic.version = 14 : i64} {
  func.func @_tc3_body(%arg0: i32, %arg1: memref<1x1000x16xf32, #tpu.memory_space<vmem>>, %arg2: memref<1x1000x16xf32, #tpu.memory_space<vmem>>, %arg3: memref<1000x16xf32, #tpu.memory_space<vmem>>, %arg4: memref<1000x16xf32, #tpu.memory_space<vmem>>, %arg5: memref<1x8xf32, #tpu.memory_space<vmem>>, %arg6: memref<1000x8xf32, #tpu.memory_space<vmem>>) attributes {dimension_semantics = [#tpu.dimension_semantics<arbitrary>], iteration_bounds = array<i64: 10>, scalar_prefetch = 0 : i64, scratch_operands = 0 : i64, tpu.core_type = #tpu.core_type<tc>, window_params = [{transform_indices = @transform_0, window_bounds = array<i64: 1, 1000, 16>}, {transform_indices = @transform_1, window_bounds = array<i64: 1, 1000, 16>}, {transform_indices = @transform_2, window_bounds = array<i64: 1000, 16>}, {transform_indices = @transform_3, window_bounds = array<i64: 1000, 16>}, {pipeline_mode = #tpu.pipeline_mode<synchronous>, transform_indices = @transform_4, window_bounds = array<i64: 1, 8>}, {transform_indices = @transform_5, window_bounds = array<i64: 1000, 8>}]} {
    %get3A = arith.constant 0 : index
    %get3A_0 = arith.constant 0 : index
    %get3A_1 = vector.load %arg4[%get3A, %get3A_0] : memref<1000x16xf32, #tpu.memory_space<vmem>>, vector<1000x16xf32>
    %get3A_2 = arith.constant 0 : index
    %get3A_3 = arith.constant 0 : index
    %get3A_4 = arith.constant 0 : index
    %get3A_5 = vector.load %arg1[%get3A_2, %get3A_3, %get3A_4] : memref<1x1000x16xf32, #tpu.memory_space<vmem>>, vector<1x1000x16xf32>
    %get3A_6 = vector.shape_cast %get3A_5 : vector<1x1000x16xf32> to vector<1000x16xf32>
    %get3A_7 = arith.constant 0 : index
    %get3A_8 = arith.constant 0 : index
    %get3A_9 = arith.constant 0 : index
    %get3A_10 = vector.load %arg2[%get3A_7, %get3A_8, %get3A_9] : memref<1x1000x16xf32, #tpu.memory_space<vmem>>, vector<1x1000x16xf32>
    %get3A_11 = vector.shape_cast %get3A_10 : vector<1x1000x16xf32> to vector<1000x16xf32>
    %add3A = arith.addf %get3A_6, %get3A_11 : vector<1000x16xf32>
    %get3A_12 = arith.constant 0 : index
    %get3A_13 = arith.constant 0 : index
    %get3A_14 = vector.load %arg3[%get3A_12, %get3A_13] : memref<1000x16xf32, #tpu.memory_space<vmem>>, vector<1000x16xf32>
    %add3A_15 = arith.addf %add3A, %get3A_14 : vector<1000x16xf32>
    %mul3A = arith.mulf %get3A_1, %add3A_15 : vector<1000x16xf32>
    %slice3A = vector.extract_strided_slice %mul3A {offsets = [0, 0], sizes = [1000, 8], strides = [1, 1]} : vector<1000x16xf32> to vector<1000x8xf32>
    %get3A_16 = arith.constant 0 : index
    %get3A_17 = arith.constant 0 : index
    %get3A_18 = vector.load %arg5[%get3A_16, %get3A_17] : memref<1x8xf32, #tpu.memory_space<vmem>>, vector<1x8xf32>
    %add3A_19 = vector.broadcast %get3A_18 : vector<1x8xf32> to vector<1000x8xf32>
    %add3A_20 = arith.addf %slice3A, %add3A_19 : vector<1000x8xf32>
    %reduce_max3A = arith.constant dense<0xFF800000> : vector<1000xf32>
    %reduce_max3A_21 = vector.multi_reduction <maximumf>, %add3A_20, %reduce_max3A [1] : vector<1000x8xf32> to vector<1000xf32>
    %broadcast_in_dim3A = vector.shape_cast %reduce_max3A_21 : vector<1000xf32> to vector<1000x1xf32>
    %sub3A = vector.broadcast %broadcast_in_dim3A : vector<1000x1xf32> to vector<1000x8xf32>
    %sub3A_22 = arith.subf %add3A_20, %sub3A : vector<1000x8xf32>
    %exp3A = math.exp %sub3A_22 : vector<1000x8xf32>
    %reduce_sum3A = arith.constant dense<0.000000e+00> : vector<1000xf32>
    %reduce_sum3A_23 = vector.multi_reduction <add>, %exp3A, %reduce_sum3A [1] : vector<1000x8xf32> to vector<1000xf32>
    %broadcast_in_dim3A_24 = vector.shape_cast %reduce_sum3A_23 : vector<1000xf32> to vector<1000x1xf32>
    %log3A = math.log %broadcast_in_dim3A_24 : vector<1000x1xf32>
    %sub3A_25 = vector.broadcast %log3A : vector<1000x1xf32> to vector<1000x8xf32>
    %sub3A_26 = arith.subf %sub3A_22, %sub3A_25 : vector<1000x8xf32>
    %swap3A = arith.constant 0 : index
    %swap3A_27 = arith.constant 0 : index
    %swap3A_28 = vector.load %arg6[%swap3A, %swap3A_27] : memref<1000x8xf32, #tpu.memory_space<vmem>>, vector<1000x8xf32>
    tpu.vector_store %arg6[%swap3A, %swap3A_27], %sub3A_26 {strides = array<i32>} : memref<1000x8xf32, #tpu.memory_space<vmem>>, vector<1000x8xf32>,
    return
  }
  func.func @transform_0(%arg0: i32) -> (i32, i32, i32) {
    %c0_i32 = arith.constant 0 : i32
    %c0_i32_0 = arith.constant 0 : i32
    %c0_i32_1 = arith.constant 0 : i32
    return %c0_i32, %arg0, %c0_i32_0 : i32, i32, i32
  }
  func.func @transform_1(%arg0: i32) -> (i32, i32, i32) {
    %c1_i32 = arith.constant 1 : i32
    %c0_i32 = arith.constant 0 : i32
    %c0_i32_0 = arith.constant 0 : i32
    return %c1_i32, %arg0, %c0_i32 : i32, i32, i32
  }
  func.func @transform_2(%arg0: i32) -> (i32, i32) {
    %c0_i32 = arith.constant 0 : i32
    %c0_i32_0 = arith.constant 0 : i32
    return %arg0, %c0_i32 : i32, i32
  }
  func.func @transform_3(%arg0: i32) -> (i32, i32) {
    %c0_i32 = arith.constant 0 : i32
    %c0_i32_0 = arith.constant 0 : i32
    return %arg0, %c0_i32 : i32, i32
  }
  func.func @transform_4(%arg0: i32) -> (i32, i32) {
    %c0_i32 = arith.constant 0 : i32
    %c0_i32_0 = arith.constant 0 : i32
    %c0_i32_1 = arith.constant 0 : i32
    return %c0_i32, %c0_i32_0 : i32, i32
  }
  func.func @transform_5(%arg0: i32) -> (i32, i32) {
    %c0_i32 = arith.constant 0 : i32
    %c0_i32_0 = arith.constant 0 : i32
    return %arg0, %c0_i32 : i32, i32
  }
}

</mosaic_0001>

<sc_bundles>
// kernel: kernel.11.cloned.1.call-start
scs
__scs_entry_jumppad:
0x0: {  	(pc) =	sbr.rel $0x88, $3  }
0x1: {  	(tag) =	ssettag $0x0;
	lr =	simm.s32 $0x1  }
0x2: {  	[smem:$0x3F9B] =	sst lr;
	_ =	strace $0xD0000000  }
0x3: {  	_ = 	snop  }
0x4: {  	_ = 	snop  }
0x5: {  	_ = 	snop  }
0x6: {  	_ = 	snop  }
0x7: {  	_ = 	snop  }
__scs_overlays_trampoline_lowered:
0x8: {  	[smem:$0x3FAA] =	sst s0  }
0x9: {  	[smem:$0x3FAB] =	sst s1  }
0xa: {  	[smem:$0x3FAC] =	sst s2  }
0xb: {  	[smem:$0x3FAD] =	sst s3  }
0xc: {  	[smem:$0x3FAE] =	sst s4  }
0xd: {  	[smem:$0x3FAF] =	sst s5  }
0xe: {  	[smem:$0x3FB0] =	sst s6  }
0xf: {  	[smem:$0x3FB1] =	sst s7  }
0x10: {  	[smem:$0x3FB2] =	sst s8  }
0x11: {  	[smem:$0x3FB3] =	sst s9;
	s0 =	simm.s32 @!p0 $0x0  }
0x12: {  	s1 =	sld [smem:$0x3F99];
	s0 =	simm.s32 @p0 $0x1  }
0x13: {  	[smem:$0x3FB4] =	sst s0;
	s0 =	simm.s32 @!p1 $0x0  }
0x14: {  	s2 =	sld [smem:$0x3F98];
	s0 =	simm.s32 @p1 $0x1  }
0x15: {  	[smem:$0x3FB5] =	sst s0;
	s0 =	simm.s32 @!p2 $0x0  }
0x16: {  	s3 =	sld [smem:$0x3FDB];
	s0 =	simm.s32 @p2 $0x1  }
0x17: {  	s4 =	simm.s32 $0x1BF5;
	[smem:$0x3FB7] =	sst s0  }
0x18: {  	s0 =	sld [smem:$0x3F9A];
	_ =	swait.ge [sflag:s4], $0x0  }
0x19: {  	s7 =	sld [smem:$0x3F9B]  }
0x1a: {  	s8 =	sadd.s32 $0xFFFFE003, lr  }
0x1b: {  	s9 =	sadd.s32 $0xFFFFFEF7, lr;
	s5 =	simm.s32 $0xFFFFFFFF;
	p2 =	slt.u32 s8, $0xFFFFF086  }
0x1c: {  	p1 =	slt.u32 s9, $0xF7A;
	s5 =	simm.s32 @!p2 $0x0  }
0x1d: {  	s5 =	simm.s32 @p1 $0x1;
	p0 =	seq.s32 s7, s2  }
0x1e: {  	s7 =	smul.u32 @!p0 $0xF7A, s2;
	p2 =	seq.s32 @!p0 s5, $0x0  }
0x1f: {  	s9 =	smul.u32 $0xF7A, s1;
	s8 =	simm.s32 @!p0 $0x1BF5;
	p2 =	por !p2, p0  }
0x20: {  	[sflag:s8] =	ssyncset.s32 @!p0 $0xFFFFF086;
	s6 =	sadd.s32 @!p0 s3, s7;
	s7 =	simm.s32 @!p0 $0x108  }
0x21: {  	s3 =	sadd.s32 s3, s9;
	s6 =	sadd.s32 @!p0 $0x88, s6;
	s7 =	simm.s32 @p2 $0x1082  }
0x22: {  	[simem:s7], [sflag:s8] =	dma.local @!p0 [hbm:s6], $0xF7A  }
0x23: {  	s9 =	sor.u32 $0xD0000000, s2;
	s6 =	simm.s32 $0x108;
	_ =	swait.ge @!p0 [sflag:s8], $0x0  }
0x24: {  	s3 =	sadd.s32 $0x88, s3;
	s6 =	simm.s32 @!p1 $0x1082;
	[sflag:s4] =	ssyncset.s32 $0xFFFFF086  }
0x25: {  	[simem:s6], [sflag:s4] =	dma.local [hbm:s3], $0xF7A  }
0x26: {  	[smem:$0x3F9B] =	sst s1;
	(tag) =	ssettag s2;
	_ =	strace s9  }
0x27: {  	s1 =	sld [smem:$0x3FAB]  }
0x28: {  	s2 =	sld [smem:$0x3FAC]  }
0x29: {  	s4 =	sld [smem:$0x3FAE]  }
0x2a: {  	p0 =	seq.s32 s5, $0x0;
	s5 =	sld [smem:$0x3FAF]  }
0x2b: {  	s6 =	sld [smem:$0x3FB0]  }
0x2c: {  	s7 =	sld [smem:$0x3FB1]  }
0x2d: {  	s3 =	simm.s32 $0x108;
	s8 =	sld [smem:$0x3FB2]  }
0x2e: {  	s3 =	simm.s32 @!p0 $0x1082;
	s9 =	sld [smem:$0x3FB3]  }
0x2f: {  	lr =	sadd.s32 s0, s3;
	s0 =	sld [smem:$0x3FAA]  }
0x30: {  	s3 =	sld [smem:$0x3FAD]  }
0x31: {  	[smem:$0x3FB6] =	sst s10  }
0x32: {  	s10 =	sld [smem:$0x3FB4];
	_ =	sdelay $0x3  }
0x33: {  	p0 =	seq.s32 s10, $0x1;
	s10 =	sld [smem:$0x3FB6];
	_ =	sdelay $0x3  }
0x34: {  	[smem:$0x3FB6] =	sst s10  }
0x35: {  	s10 =	sld [smem:$0x3FB5];
	_ =	sdelay $0x3  }
0x36: {  	p1 =	seq.s32 s10, $0x1;
	s10 =	sld [smem:$0x3FB6];
	_ =	sdelay $0x3  }
0x37: {  	[smem:$0x3FB6] =	sst s10  }
0x38: {  	s10 =	sld [smem:$0x3FB7]  }
0x39: {  	_ = 	snop;
	(pc) =	sbr.ind lr, $3  }
0x3a: {  	_ = 	snop  }
0x3b: {  	_ = 	snop  }
0x3c: {  	p2 =	seq.s32 s10, $0x1;
	s10 =	sld [smem:$0x3FB6]  }
0x3d: {  	_ =	shalt  }
0x3e: {  	_ =	shalt  }
0x3f: {  	_ =	shalt  }
0x40: {  	_ =	shalt  }
0x41: {  	_ =	shalt  }
0x42: {  	_ =	shalt  }
0x43: {  	_ =	shalt  }
0x44: {  	_ =	shalt  }
0x45: {  	_ =	shalt  }
0x46: {  	_ =	shalt  }
0x47: {  	_ =	shalt  }
0x48: {  	_ =	shalt  }
0x49: {  	_ =	shalt  }
0x4a: {  	_ =	shalt  }
0x4b: {  	_ =	shalt  }
0x4c: {  	_ =	shalt  }
0x4d: {  	_ =	shalt  }
0x4e: {  	_ =	shalt  }
0x4f: {  	_ =	shalt  }
0x50: {  	_ =	shalt  }
0x51: {  	_ =	shalt  }
0x52: {  	_ =	shalt  }
0x53: {  	_ =	shalt  }
0x54: {  	_ =	shalt  }
0x55: {  	_ =	shalt  }
0x56: {  	_ =	shalt  }
0x57: {  	_ =	shalt  }
0x58: {  	_ =	shalt  }
0x59: {  	_ =	shalt  }
0x5a: {  	_ =	shalt  }
0x5b: {  	_ =	shalt  }
0x5c: {  	_ =	shalt  }
0x5d: {  	_ =	shalt  }
0x5e: {  	_ =	shalt  }
0x5f: {  	_ =	shalt  }
0x60: {  	_ =	shalt  }
0x61: {  	_ =	shalt  }
0x62: {  	_ =	shalt  }
0x63: {  	_ =	shalt  }
0x64: {  	_ =	shalt  }
0x65: {  	_ =	shalt  }
0x66: {  	_ =	shalt  }
0x67: {  	_ =	shalt  }
0x68: {  	_ =	shalt  }
0x69: {  	_ =	shalt  }
0x6a: {  	_ =	shalt  }
0x6b: {  	_ =	shalt  }
0x6c: {  	_ =	shalt  }
0x6d: {  	_ =	shalt  }
0x6e: {  	_ =	shalt  }
0x6f: {  	_ =	shalt  }
0x70: {  	_ =	shalt  }
0x71: {  	_ =	shalt  }
0x72: {  	_ =	shalt  }
0x73: {  	_ =	shalt  }
0x74: {  	_ =	shalt  }
0x75: {  	_ =	shalt  }
0x76: {  	_ =	shalt  }
0x77: {  	_ =	shalt  }
0x78: {  	_ =	shalt  }
0x79: {  	_ =	shalt  }
0x7a: {  	_ =	shalt  }
0x7b: {  	_ =	shalt  }
0x7c: {  	_ =	shalt  }
0x7d: {  	_ =	shalt  }
0x7e: {  	_ =	shalt  }
0x7f: {  	_ =	shalt  }
0x80: {  	_ =	shalt  }
0x81: {  	_ =	shalt  }
0x82: {  	_ =	shalt  }
0x83: {  	_ =	shalt  }
0x84: {  	_ =	shalt  }
0x85: {  	_ =	shalt  }
0x86: {  	_ =	shalt  }
0x87: {  	_ =	shalt  }
.Lfunc_end0:
.L_simem_size_0:
called_computation.1_lowered:
.L_overlay_start_0:
0x88: {  	s2 =	sld [smem:$0x3FD9]  }
0x89: {  	s3 =	sld [smem:$0x3FFE];
	_ =	sdelay $0x1  }
0x8a: {  	s1 =	srdreg.scid  }
0x8b: {  	s0 =	sand.u32 $0x1, s1  }
0x8c: {  	s16 =	sshll.u32 s0, $0xA;
	s2 =	sadd.s32 s3, s2  }
0x8d: {  	s2 =	sadd.s32 s2, s16  }
0x8e: {  	[smem:$0x3FC2] =	sst s2  }
0x8f: {  	_ = 	snop  }
0x90: {  	(tm) =	ssettm $0x1  }
0x91: {  	s17 =	sld [smem:$0x3FFB];
	_ =	sdelay $0x3  }
0x92: {  	_ =	strace s17  }
0x93: {  	s2 =	sld [smem:$0x3FFC];
	_ =	sdelay $0x3  }
0x94: {  	_ =	strace s2  }
0x95: {  	s2 =	sld [smem:$0x3FFD];
	_ =	sdelay $0x3  }
0x96: {  	_ =	strace s2  }
0x97: {  	_ =	strace $0x8FFFFFFF  }
0x98: {  	s18 =	sld [smem:$0x3FDB];
	_ =	sdelay $0x1  }
0x99: {  	s19 =	simm.s32 $_scs_section_size  }
0x9a: {  	s4 =	simm.s32 $_size__tile_overlayer_lowered;
	s5 =	simm.s32 $_tile_overlayer_lowered  }
0x9b: {  	s22 =	simm.s32 $0x1BFF;
	s21 =	sshll.u32 s5, $0x1;
	s2 =	sadd.s32 s19, s18  }
0x9c: {  	s6 =	simm.s32 $0x0;
	s20 =	sshll.u32 s4, $0x1;
	s4 =	sadd.s32 s21, s2  }
0x9d: {  	[timem:s6], [sflag:s22] =	dma.local [hbm:s4], s20  }
0x9e: {  	_ =	swait.ge [sflag:s22], s20  }
0x9f: {  	s3 =	ssub.s32 $0x0, s20;
	[sflag:s22] =	ssyncset.done $0x0  }
0xa0: {  	[sflag:s22] =	ssyncadd.s32 s3;
	_ =	sdelay $0x1  }
0xa1: {  	s23 =	simm.s32 $0x1B8B  }
0xa2: {  	_ =	swait.ge [sflag:s23], $0x1  }
0xa3: {  	[sflag:s23] =	ssyncset.done $0x0  }
0xa4: {  	s25 =	simm.s32 $0x1B8E;
	s24 =	sld [smem:$0x3FFE];
	[sflag:s23] =	ssyncadd.s32 $0xFFFFFFFF  }
0xa5: {  	s26 =	simm.s32 $execute0_lowered;
	[smem:$0x3FD2] =	sst s25  }
0xa6: {  	s4 =	sshll.u32 s26, $0x1;
	_ =	strace $0x80000049;
	[dreg:$0x1] =	wrdreg $0xFFFFFFFF  }
0xa7: {  	s28 =	simm.s32 $_size_execute0_lowered;
	s2 =	sadd.s32 s2, s4;
	[dreg:$0x0] =	wrdreg $0x0  }
0xa8: {  	s4 =	sshll.u32 s28, $0x1;
	[dreg:$0x2] =	wrdreg s2  }
0xa9: {  	[dreg:$0x3] =	wrdreg s4  }
0xaa: {  	[dreg:$0x4] =	wrdreg $0xC0  }
0xab: {  	_ =	task [dreg:s6], $0x5FFFF  }
0xac: {  	[dreg:$0x1] =	wrdreg $0xFFFFFFFF  }
0xad: {  	[dreg:$0x0] =	wrdreg $0x60  }
0xae: {  	[dreg:$0x2] =	wrdreg s24  }
0xaf: {  	[dreg:$0x3] =	wrdreg $0xAF000  }
0xb0: {  	[dreg:$0x4] =	wrdreg $0xD7000  }
0xb1: {  	[dreg:$0x5] =	wrdreg $0x9  }
0xb2: {  	_ =	task.clear_ibuf [dreg:s6], $0x6FFFF;
	_ =	strace $0x90000049  }
0xb3: {  	s29 =	simm.s32 $0x9;
	_ =	strace $0x8000004B  }
0xb4: {  	_ =	swait.ge [sflag:s29], $0x1  }
0xb5: {  	[sflag:s29] =	ssyncadd.s32 $0xFFFFFFFF  }
0xb6: {  	_ =	strace $0x9000004B  }
0xb7: {  	_ =	sfence  }
0xb8: {  	s30 =	sld [smem:$0x0];
	_ =	sdelay $0x2  }
0xb9: {  	s31 =	sshll.u32 s1, $0xD;
	s1 =	sshrl.u32 s1, $0x2  }
0xba: {  	s3 =	sand.u32 $0x4000, s31;
	s1 =	sadd.s32 s1, s30  }
0xbb: {  	s0 =	sor.u32 s3, s0;
	s1 =	sshll.u32 s1, $0x11  }
0xbc: {  	s0 =	sor.u32 s1, s0  }
0xbd: {  	s0 =	sadd.s32 $0x8F2B, s0  }
0xbe: {  	[sflag:s0] =	ssyncadd.remote.s32 $0x1  }
0xbf: {  	_ =	sfence.sel $0xFFFF  }
0xc0: {  	[dreg:$0x0] =	wrdreg $0xFFFFFFFF;
	(pc) =	sbr.abs _section_cstart, $3  }
0xc1: {  	[dreg:$0x1] =	wrdreg $0xFFFFFFFF  }
0xc2: {  	_ =	task.clear_ibuf [dreg:s6], $0x2FFFF;
	_ =	strace $0x9FFFFFFF  }
0xc3: {  	(tm) =	ssettm $0x7FFFFFFF  }
tec
execute0_lowered:
.L_overlay_start_1:
0x0: {  	(tag) =	ssettag $0x1  }
0x1: {  	s6 =	rddreg [dreg:$0x0]  }
0x2: {  	s2 =	rddreg [dreg:$0x1]  }
0x3: {  	s3 =	rddreg [dreg:$0x2]  }
0x4: {  	s0 =	rddreg [dreg:$0x3];
	s1 =	stileid.u32  }
0x5: {  	s4 =	simm.s32 $0x0;
	s7 =	srdreg.scid;
	s17 =	simm.s32 $0x3  }
0x6: {  	s18 =	simm.s32 $0x4F00;
	s19 =	simm.s32 $0x1;
	s20 =	simm.s32 $0x80  }
0x7: {  	s21 =	simm.s32 $0x0;
	s5 =	smul.u32 $0x500, s1;
	[smem:$0x7FF] =	sst s4  }
0x8: {  	s7 =	sand.u32 $0x1, s7;
	s12 =	smul.u32 $0x2800, s1;
	s10 =	sadd.s32 $0x1600, s6  }
0x9: {  	s11 =	sadd.s32 $0xB400, s6;
	p0 =	seq.s32 s1, $0xF;
	_ =	strace $0x8000004A  }
0xa: {  	s8 =	smul.u32 $0x28000, s7;
	s9 =	sshll.u32 s7, $0x4;
	s7 =	ssub.s32 $0x2, s7  }
0xb: {  	s5 =	sadd.s32 s5, s6;
	s16 =	sor.u32 s1, s9;
	s13 =	sshrl.u32 s7, $0x1  }
0xc: {  	s8 =	sadd.s32 s12, s8;
	s9 =	smul.u32 $0x2700, s16;
	s15 =	ssub.s32 s7, s13  }
0xd: {  	s5 =	sadd.s32 $0x15200, s5;
	s31 =	smul.u32 $0x4F0, s16;
	s13 =	sadd.s32 $0x25800, s3  }
0xe: {  	p1 =	sgt.u32 s16, $0x3;
	s16 =	simm.s32 $0x5F00;
	s8 =	sshrl.u32 s8, $0x3  }
0xf: {  	s15 =	smax.u32 s15, $0x1;
	s14 =	sadd.s32 s8, s6;
	s29 =	sshrl.u32 s9, $0x3  }
0x10: {  	s6 =	sadd.s32 $0x19D00, s6;
	s9 =	sadd.s32 s10, s31;
	s30 =	sadd.s32 $0x40, s29  }
0x11: {  	s14 =	sadd.s32 $0x1A200, s14;
	s7 =	sadd.s32 s10, s30;
	s8 =	sadd.s32 s11, s30  }
0x12: {  	v0 =	vimm.f32 $0.0e+00;
	s10 =	sadd.s32 s11, s31;
	s11 =	sadd.s32 s12, s2;
	s12 =	sadd.s32 s12, s3  }
.LBB2_1:
0x13: {  	s22 =	simm.s32 @p0 $0x0;
	s23 =	simm.s32 @p0 $0x8700  }
0x14: {  	[tilespmem:s23], [sflag:$0x2] =	stream.linear.gather @p0 [hbm4b:s6+s22], $0x1900, $0x38;
	[tilespmem:$0xFF00] =	vst v63  }
0x15: {  	s22 =	simm.s32 @!p0 $0x0;
	s23 =	simm.s32 @!p0 $0x8700  }
0x16: {  	[tilespmem:s23], [sflag:$0x2] =	stream.linear.gather @!p0 [hbm4b:s5+s22], $0x2800, $0x38;
	[tilespmem:$0xFF00] =	vst v63  }
0x17: {  	s22 =	simm.s32 @p1 $0x0;
	s23 =	simm.s32 @p1 $0x3  }
0x18: {  	[tilespmem:s22], [sflag:$0x3] =	stream.linear.gather @p1 [hbm4b:s7+s22], $0x2700, $0x38;
	[tilespmem:$0xFF00] =	vst v63  }
0x19: {  	_ =	swait.ge @p1 [sflag:s23], $0x2700  }
0x1a: {  	[sflag:s23] =	ssyncset.done @p1 $0x0  }
0x1b: {  	s24 =	simm.s32 @p1 $0x2780;
	[sflag:s23] =	ssyncadd.s32 @p1 $0xFFFFD900  }
0x1c: {  	[tilespmem:s24], [sflag:$0x3] =	stream.linear.gather @p1 [hbm4b:s8+s22], $0x2700, $0x38;
	[tilespmem:$0xFF00] =	vst v63  }
0x1d: {  	_ =	swait.ge @p1 [sflag:s23], $0x2700  }
0x1e: {  	[sflag:s23] =	ssyncset.done @p1 $0x0  }
0x1f: {  	s22 =	simm.s32 @!p1 $0x0;
	[sflag:s23] =	ssyncadd.s32 @p1 $0xFFFFD900;
	s23 =	simm.s32 @!p1 $0x3  }
0x20: {  	[tilespmem:s22], [sflag:$0x3] =	stream.linear.gather @!p1 [hbm4b:s9+s22], $0x2780, $0x38;
	[tilespmem:$0xFF00] =	vst v63  }
0x21: {  	_ =	swait.ge @!p1 [sflag:s23], $0x2780  }
0x22: {  	[sflag:s23] =	ssyncset.done @!p1 $0x0  }
0x23: {  	s24 =	simm.s32 @!p1 $0x2780;
	[sflag:s23] =	ssyncadd.s32 @!p1 $0xFFFFD880  }
0x24: {  	[tilespmem:s24], [sflag:$0x3] =	stream.linear.gather @!p1 [hbm4b:s10+s22], $0x2780, $0x38;
	[tilespmem:$0xFF00] =	vst v63  }
0x25: {  	_ =	swait.ge @!p1 [sflag:s23], $0x2780  }
0x26: {  	s22 =	simm.s32 @!p1 $0x4F;
	s24 =	simm.s32 $0x0;
	[sflag:s23] =	ssyncset.done @!p1 $0x0  }
0x27: {  	s22 =	simm.s32 @p1 $0x4E;
	[sflag:s23] =	ssyncadd.s32 @!p1 $0xFFFFD880;
	s23 =	simm.s32 $0x40  }
.LBB2_2:
0x28: {  	p2 =	sne.s32 s23, $0x9FC0;
	[tilespmem:s24+$0x5F00] =	vst v0;
	s24 =	smov.u32 s23;
	s23 =	sadd.s32 $0x40, s23  }
.Ltmp0:
0x29: {  	(pc) =	sbr.rel @p2 .LBB2_2-.Ltmp0, $2  }
0x2a: {  	_ =	sdelay $0x2  }
0x2b: {  	s24 =	sshra.s32 s24, $0x2  }
0x2c: {  	[tilespmem:s24+$0x5F00] =	vst v0  }
0x2d: {  	[spmem:s11] =	stream.linear.scatter [tilespmem:s16], [sflag:$0x3], $0x2800, $0x38;
	[tilespmem:$0xFF00] =	vst v63  }
0x2e: {  	_ =	swait.ge [sflag:s17], $0x2800  }
0x2f: {  	[sflag:s17] =	ssyncset.done $0x0  }
0x30: {  	s23 =	simm.s32 @p0 $0x2;
	[sflag:s17] =	ssyncadd.s32 $0xFFFFD800  }
0x31: {  	_ =	swait.ge @p0 [sflag:s23], $0x1900  }
0x32: {  	[sflag:s23] =	ssyncset.done @p0 $0x0  }
0x33: {  	[sflag:s23] =	ssyncadd.s32 @p0 $0xFFFFE700;
	s23 =	simm.s32 @p0 $0x8700  }
0x34: {  	[spmem:s13] =	stream.linear.scatter @p0 [tilespmem:s23], [sflag:$0x3], $0x1900, $0x38;
	[tilespmem:$0xFF00] =	vst v63  }
0x35: {  	s23 =	simm.s32 @p0 $0x3  }
0x36: {  	_ =	swait.ge @p0 [sflag:s23], $0x1900  }
0x37: {  	[sflag:s23] =	ssyncset.done @p0 $0x0  }
0x38: {  	[sflag:s23] =	ssyncadd.s32 @p0 $0xFFFFE700;
	s23 =	simm.s32 @!p0 $0x2  }
0x39: {  	_ =	swait.ge @!p0 [sflag:s23], $0x2800  }
0x3a: {  	[sflag:s23] =	ssyncset.done @!p0 $0x0  }
0x3b: {  	[sflag:s23] =	ssyncadd.s32 @!p0 $0xFFFFD800;
	s23 =	simm.s32 @!p0 $0x8700  }
0x3c: {  	[spmem:s12] =	stream.linear.scatter @!p0 [tilespmem:s23], [sflag:$0x3], $0x2800, $0x38;
	[tilespmem:$0xFF00] =	vst v63  }
0x3d: {  	s23 =	simm.s32 @!p0 $0x3  }
0x3e: {  	_ =	swait.ge @!p0 [sflag:s23], $0x2800  }
0x3f: {  	[sflag:s23] =	ssyncset.done @!p0 $0x0  }
0x40: {  	[sflag:s23] =	ssyncadd.s32 @!p0 $0xFFFFD800  }
0x41: {  	s30 =	simm.s32 $0x80;
	s31 =	simm.s32 $0x0;
	[bflag:$0x0] =	sbarrier.arrive $0xFFFF  }
0x42: {  	[tilespmem:s18], [sflag:$0x1] =	stream.indirect.gather [spmem:s3], $0x10, s4, s30, $0xb8;
	[tilespmem:$0xFF00] =	vst v63  }
0x43: {  	s24 =	sand.u32 $0x1, s31;
	_ =	swait.ge [sflag:s19], $0x800  }
0x44: {  	s24 =	sshll.u32 s24, $0xB;
	[sflag:s19] =	ssyncset.done $0x0  }
0x45: {  	p2 =	sne.s32 s22, $0x2;
	s25 =	ssub.s32 $0x5700, s24;
	[sflag:s19] =	ssyncadd.s32 $0xFFFFF800  }
0x46: {  	[tilespmem:s25], [sflag:$0x1] =	stream.indirect.gather [spmem:s3], $0x10, s30, s20, $0xb8;
	[tilespmem:$0xFF00] =	vst v63  }
.Ltmp1:
0x47: {  	_ = 	snop;
	(pc) =	sbr.rel @!p2 .LBB2_5-.Ltmp1, $4  }
0x48: {  	s24 =	sadd.s32 $0x4F00, s24;
	s23 =	simm.s32 $0x2780  }
0x49: {  	[spmem:s2] =	stream.indirect.scatter.add.f32 [tilespmem:s24], [sflag:$0x3], $0x10, s23, s20, $0xb8;
	[tilespmem:$0xFF00] =	vst v63  }
0x4a: {  	s26 =	simm.s32 $0x100;
	_ =	swait.ge [sflag:s17], $0x800  }
0x4b: {  	s25 =	simm.s32 $0x2;
	s24 =	simm.s32 $0x1;
	[sflag:s17] =	ssyncset.done $0x0  }
.LBB2_4:
0x4c: {  	s24 =	smov.u32 s25;
	s23 =	sadd.s32 $0x80, s23  }
0x4d: {  	s28 =	smov.u32 s25;
	s25 =	sadd.s32 $0x1, s25;
	[sflag:s17] =	ssyncadd.s32 $0xFFFFF800  }
0x4e: {  	s28 =	sadd.s32 $0xFFFFFFFF, s28;
	p2 =	sne.s32 s22, s25  }
0x4f: {  	s28 =	sand.u32 $0x1, s28;
	_ =	swait.ge [sflag:s19], $0x800  }
0x50: {  	s28 =	sshll.u32 s28, $0xB;
	[sflag:s19] =	ssyncset.done $0x0  }
0x51: {  	s29 =	ssub.s32 $0x5700, s28;
	[sflag:s19] =	ssyncadd.s32 $0xFFFFF800  }
0x52: {  	[tilespmem:s29], [sflag:$0x1] =	stream.indirect.gather [spmem:s3], $0x10, s26, s20, $0xb8;
	[tilespmem:$0xFF00] =	vst v63  }
.Ltmp2:
0x53: {  	_ = 	snop;
	(pc) =	sbr.rel @p2 .LBB2_4-.Ltmp2, $4  }
0x54: {  	s28 =	sadd.s32 $0x4F00, s28  }
0x55: {  	[spmem:s2] =	stream.indirect.scatter.add.f32 [tilespmem:s28], [sflag:$0x3], $0x10, s23, s20, $0xb8;
	[tilespmem:$0xFF00] =	vst v63  }
0x56: {  	_ =	swait.ge [sflag:s17], $0x800  }
0x57: {  	s26 =	sadd.s32 $0x80, s26;
	[sflag:s17] =	ssyncset.done $0x0  }
.LBB2_5:
0x58: {  	[sflag:s17] =	ssyncadd.s32 $0xFFFFF800  }
0x59: {  	s22 =	sand.u32 $0x1, s24;
	_ =	swait.ge [sflag:s19], $0x800  }
0x5a: {  	s22 =	sshll.u32 s22, $0xB;
	[sflag:s19] =	ssyncset.done $0x0  }
0x5b: {  	s23 =	sadd.s32 $0x80, s23;
	s22 =	sadd.s32 $0x4F00, s22;
	[sflag:s19] =	ssyncadd.s32 $0xFFFFF800  }
0x5c: {  	[spmem:s2] =	stream.indirect.scatter.add.f32 [tilespmem:s22], [sflag:$0x3], $0x10, s23, s20, $0xb8;
	[tilespmem:$0xFF00] =	vst v63  }
0x5d: {  	_ =	swait.ge [sflag:s17], $0x800  }
0x5e: {  	[sflag:s17] =	ssyncset.done $0x0  }
0x5f: {  	[sflag:s17] =	ssyncadd.s32 $0xFFFFF800  }
0x60: {  	[bflag:$0x0] =	sbarrier.arrive $0xFFFF  }
0x61: {  	[tilespmem:s16], [sflag:$0x3] =	stream.linear.gather [spmem:s11], $0x2800, $0x38;
	[tilespmem:$0xFF00] =	vst v63  }
0x62: {  	s21 =	sadd.s32 $0x1, s21;
	_ =	swait.ge [sflag:s17], $0x2800  }
0x63: {  	p2 =	sne.s32 s21, s15;
	[sflag:s17] =	ssyncset.done $0x0  }
.Ltmp3:
0x64: {  	[sflag:s17] =	ssyncadd.s32 $0xFFFFD800;
	(pc) =	sbr.rel @p2 .LBB2_1-.Ltmp3, $4  }
0x65: {  	[hbm4b:s14+s4] =	stream.linear.scatter [tilespmem:s16], [sflag:$0x3], $0x2800, $0x38;
	[tilespmem:$0xFF00] =	vst v63  }
0x66: {  	_ =	swait.ge [sflag:s17], $0x2800  }
0x67: {  	[sflag:s17] =	ssyncset.done $0x0  }
0x68: {  	[sflag:s17] =	ssyncadd.s32 $0xFFFFD800  }
0x69: {  	_ =	sfence.sel $0x180000  }
0x6a: {  	[bflag:$0x0] =	sbarrier.arrive $0xFFFF  }
0x6b: {  	p0 =	sne.s32 s1, $0x0;
	_ =	strace $0x9000004A  }
0x6c: {  	s0 =	sadd.s32 @!p0 $0x100000, s0;
	[bflag:$0x2] =	sbarrier.arrive $0xFFFF  }
0x6d: {  	[sflag:s0] =	ssyncadd.tile.s32 @!p0 $0x1;
	_ =	shalt  }
.Lfunc_end2:
_tile_overlayer_lowered:
.L_overlay_start_2:
0x6e: {  	(tag) =	ssettag $0x2  }
0x6f: {  	s0 =	rddreg [dreg:$0x0];
	s2 =	stileid.u32  }
0x70: {  	s1 =	rddreg [dreg:$0x1];
	p0 =	sne.s32 s2, $0x0  }
0x71: {  	s3 =	rddreg [dreg:$0x2];
	[bflag:$0x3] =	sbarrier.arrive $0xFFFF;
	s2 =	simm.s32 @!p0 $0x1C03  }
0x72: {  	[timem:s3], [sflag:s2] =	dma.local @!p0 [hbm:s0], s1  }
0x73: {  	s0 =	simm.s32 @!p0 $0x3  }
0x74: {  	_ =	swait.ge @!p0 [sflag:s0], s1  }
0x75: {  	s1 =	ssub.s32 @!p0 $0x0, s1;
	[sflag:s0] =	ssyncset.done @!p0 $0x0  }
0x76: {  	[sflag:s0] =	ssyncadd.s32 @!p0 s1  }
0x77: {  	[bflag:$0x3] =	sbarrier.arrive $0xFFFF  }
0x78: {  	_ =	shalt  }

// kernel: kernel.14.cloned.1.call-start
scs
__scs_entry_jumppad:
0x0: {  	(pc) =	sbr.rel $0x88, $3  }
0x1: {  	(tag) =	ssettag $0x0;
	lr =	simm.s32 $0x1  }
0x2: {  	[smem:$0x3F9B] =	sst lr;
	_ =	strace $0xD0000000  }
0x3: {  	_ = 	snop  }
0x4: {  	_ = 	snop  }
0x5: {  	_ = 	snop  }
0x6: {  	_ = 	snop  }
0x7: {  	_ = 	snop  }
__scs_overlays_trampoline_lowered:
0x8: {  	[smem:$0x3FAA] =	sst s0  }
0x9: {  	[smem:$0x3FAB] =	sst s1  }
0xa: {  	[smem:$0x3FAC] =	sst s2  }
0xb: {  	[smem:$0x3FAD] =	sst s3  }
0xc: {  	[smem:$0x3FAE] =	sst s4  }
0xd: {  	[smem:$0x3FAF] =	sst s5  }
0xe: {  	[smem:$0x3FB0] =	sst s6  }
0xf: {  	[smem:$0x3FB1] =	sst s7  }
0x10: {  	[smem:$0x3FB2] =	sst s8  }
0x11: {  	[smem:$0x3FB3] =	sst s9;
	s0 =	simm.s32 @!p0 $0x0  }
0x12: {  	s1 =	sld [smem:$0x3F99];
	s0 =	simm.s32 @p0 $0x1  }
0x13: {  	[smem:$0x3FB4] =	sst s0;
	s0 =	simm.s32 @!p1 $0x0  }
0x14: {  	s2 =	sld [smem:$0x3F98];
	s0 =	simm.s32 @p1 $0x1  }
0x15: {  	[smem:$0x3FB5] =	sst s0;
	s0 =	simm.s32 @!p2 $0x0  }
0x16: {  	s3 =	sld [smem:$0x3FDB];
	s0 =	simm.s32 @p2 $0x1  }
0x17: {  	s4 =	simm.s32 $0x1BF5;
	[smem:$0x3FB7] =	sst s0  }
0x18: {  	s0 =	sld [smem:$0x3F9A];
	_ =	swait.ge [sflag:s4], $0x0  }
0x19: {  	s7 =	sld [smem:$0x3F9B]  }
0x1a: {  	s8 =	sadd.s32 $0xFFFFE003, lr  }
0x1b: {  	s9 =	sadd.s32 $0xFFFFFEF7, lr;
	s5 =	simm.s32 $0xFFFFFFFF;
	p2 =	slt.u32 s8, $0xFFFFF086  }
0x1c: {  	p1 =	slt.u32 s9, $0xF7A;
	s5 =	simm.s32 @!p2 $0x0  }
0x1d: {  	s5 =	simm.s32 @p1 $0x1;
	p0 =	seq.s32 s7, s2  }
0x1e: {  	s7 =	smul.u32 @!p0 $0xF7A, s2;
	p2 =	seq.s32 @!p0 s5, $0x0  }
0x1f: {  	s9 =	smul.u32 $0xF7A, s1;
	s8 =	simm.s32 @!p0 $0x1BF5;
	p2 =	por !p2, p0  }
0x20: {  	[sflag:s8] =	ssyncset.s32 @!p0 $0xFFFFF086;
	s6 =	sadd.s32 @!p0 s3, s7;
	s7 =	simm.s32 @!p0 $0x108  }
0x21: {  	s3 =	sadd.s32 s3, s9;
	s6 =	sadd.s32 @!p0 $0x88, s6;
	s7 =	simm.s32 @p2 $0x1082  }
0x22: {  	[simem:s7], [sflag:s8] =	dma.local @!p0 [hbm:s6], $0xF7A  }
0x23: {  	s9 =	sor.u32 $0xD0000000, s2;
	s6 =	simm.s32 $0x108;
	_ =	swait.ge @!p0 [sflag:s8], $0x0  }
0x24: {  	s3 =	sadd.s32 $0x88, s3;
	s6 =	simm.s32 @!p1 $0x1082;
	[sflag:s4] =	ssyncset.s32 $0xFFFFF086  }
0x25: {  	[simem:s6], [sflag:s4] =	dma.local [hbm:s3], $0xF7A  }
0x26: {  	[smem:$0x3F9B] =	sst s1;
	(tag) =	ssettag s2;
	_ =	strace s9  }
0x27: {  	s1 =	sld [smem:$0x3FAB]  }
0x28: {  	s2 =	sld [smem:$0x3FAC]  }
0x29: {  	s4 =	sld [smem:$0x3FAE]  }
0x2a: {  	p0 =	seq.s32 s5, $0x0;
	s5 =	sld [smem:$0x3FAF]  }
0x2b: {  	s6 =	sld [smem:$0x3FB0]  }
0x2c: {  	s7 =	sld [smem:$0x3FB1]  }
0x2d: {  	s3 =	simm.s32 $0x108;
	s8 =	sld [smem:$0x3FB2]  }
0x2e: {  	s3 =	simm.s32 @!p0 $0x1082;
	s9 =	sld [smem:$0x3FB3]  }
0x2f: {  	lr =	sadd.s32 s0, s3;
	s0 =	sld [smem:$0x3FAA]  }
0x30: {  	s3 =	sld [smem:$0x3FAD]  }
0x31: {  	[smem:$0x3FB6] =	sst s10  }
0x32: {  	s10 =	sld [smem:$0x3FB4];
	_ =	sdelay $0x3  }
0x33: {  	p0 =	seq.s32 s10, $0x1;
	s10 =	sld [smem:$0x3FB6];
	_ =	sdelay $0x3  }
0x34: {  	[smem:$0x3FB6] =	sst s10  }
0x35: {  	s10 =	sld [smem:$0x3FB5];
	_ =	sdelay $0x3  }
0x36: {  	p1 =	seq.s32 s10, $0x1;
	s10 =	sld [smem:$0x3FB6];
	_ =	sdelay $0x3  }
0x37: {  	[smem:$0x3FB6] =	sst s10  }
0x38: {  	s10 =	sld [smem:$0x3FB7]  }
0x39: {  	_ = 	snop;
	(pc) =	sbr.ind lr, $3  }
0x3a: {  	_ = 	snop  }
0x3b: {  	_ = 	snop  }
0x3c: {  	p2 =	seq.s32 s10, $0x1;
	s10 =	sld [smem:$0x3FB6]  }
0x3d: {  	_ =	shalt  }
0x3e: {  	_ =	shalt  }
0x3f: {  	_ =	shalt  }
0x40: {  	_ =	shalt  }
0x41: {  	_ =	shalt  }
0x42: {  	_ =	shalt  }
0x43: {  	_ =	shalt  }
0x44: {  	_ =	shalt  }
0x45: {  	_ =	shalt  }
0x46: {  	_ =	shalt  }
0x47: {  	_ =	shalt  }
0x48: {  	_ =	shalt  }
0x49: {  	_ =	shalt  }
0x4a: {  	_ =	shalt  }
0x4b: {  	_ =	shalt  }
0x4c: {  	_ =	shalt  }
0x4d: {  	_ =	shalt  }
0x4e: {  	_ =	shalt  }
0x4f: {  	_ =	shalt  }
0x50: {  	_ =	shalt  }
0x51: {  	_ =	shalt  }
0x52: {  	_ =	shalt  }
0x53: {  	_ =	shalt  }
0x54: {  	_ =	shalt  }
0x55: {  	_ =	shalt  }
0x56: {  	_ =	shalt  }
0x57: {  	_ =	shalt  }
0x58: {  	_ =	shalt  }
0x59: {  	_ =	shalt  }
0x5a: {  	_ =	shalt  }
0x5b: {  	_ =	shalt  }
0x5c: {  	_ =	shalt  }
0x5d: {  	_ =	shalt  }
0x5e: {  	_ =	shalt  }
0x5f: {  	_ =	shalt  }
0x60: {  	_ =	shalt  }
0x61: {  	_ =	shalt  }
0x62: {  	_ =	shalt  }
0x63: {  	_ =	shalt  }
0x64: {  	_ =	shalt  }
0x65: {  	_ =	shalt  }
0x66: {  	_ =	shalt  }
0x67: {  	_ =	shalt  }
0x68: {  	_ =	shalt  }
0x69: {  	_ =	shalt  }
0x6a: {  	_ =	shalt  }
0x6b: {  	_ =	shalt  }
0x6c: {  	_ =	shalt  }
0x6d: {  	_ =	shalt  }
0x6e: {  	_ =	shalt  }
0x6f: {  	_ =	shalt  }
0x70: {  	_ =	shalt  }
0x71: {  	_ =	shalt  }
0x72: {  	_ =	shalt  }
0x73: {  	_ =	shalt  }
0x74: {  	_ =	shalt  }
0x75: {  	_ =	shalt  }
0x76: {  	_ =	shalt  }
0x77: {  	_ =	shalt  }
0x78: {  	_ =	shalt  }
0x79: {  	_ =	shalt  }
0x7a: {  	_ =	shalt  }
0x7b: {  	_ =	shalt  }
0x7c: {  	_ =	shalt  }
0x7d: {  	_ =	shalt  }
0x7e: {  	_ =	shalt  }
0x7f: {  	_ =	shalt  }
0x80: {  	_ =	shalt  }
0x81: {  	_ =	shalt  }
0x82: {  	_ =	shalt  }
0x83: {  	_ =	shalt  }
0x84: {  	_ =	shalt  }
0x85: {  	_ =	shalt  }
0x86: {  	_ =	shalt  }
0x87: {  	_ =	shalt  }
.Lfunc_end0:
.L_simem_size_0:
called_computation.2_lowered:
.L_overlay_start_0:
0x88: {  	s2 =	sld [smem:$0x3FD9]  }
0x89: {  	s3 =	sld [smem:$0x3FFE];
	_ =	sdelay $0x1  }
0x8a: {  	s1 =	srdreg.scid  }
0x8b: {  	s0 =	sand.u32 $0x1, s1  }
0x8c: {  	s16 =	sshll.u32 s0, $0xA;
	s2 =	sadd.s32 s3, s2  }
0x8d: {  	s2 =	sadd.s32 s2, s16  }
0x8e: {  	[smem:$0x3FC2] =	sst s2  }
0x8f: {  	_ = 	snop  }
0x90: {  	(tm) =	ssettm $0x1  }
0x91: {  	s17 =	sld [smem:$0x3FFB];
	_ =	sdelay $0x3  }
0x92: {  	_ =	strace s17  }
0x93: {  	s2 =	sld [smem:$0x3FFC];
	_ =	sdelay $0x3  }
0x94: {  	_ =	strace s2  }
0x95: {  	s2 =	sld [smem:$0x3FFD];
	_ =	sdelay $0x3  }
0x96: {  	_ =	strace s2  }
0x97: {  	_ =	strace $0x8FFFFFFF  }
0x98: {  	s18 =	sld [smem:$0x3FDB];
	_ =	sdelay $0x1  }
0x99: {  	s19 =	simm.s32 $_scs_section_size  }
0x9a: {  	s4 =	simm.s32 $_size__tile_overlayer_lowered;
	s5 =	simm.s32 $_tile_overlayer_lowered  }
0x9b: {  	s22 =	simm.s32 $0x1BFF;
	s21 =	sshll.u32 s5, $0x1;
	s2 =	sadd.s32 s19, s18  }
0x9c: {  	s6 =	simm.s32 $0x0;
	s20 =	sshll.u32 s4, $0x1;
	s4 =	sadd.s32 s21, s2  }
0x9d: {  	[timem:s6], [sflag:s22] =	dma.local [hbm:s4], s20  }
0x9e: {  	_ =	swait.ge [sflag:s22], s20  }
0x9f: {  	s3 =	ssub.s32 $0x0, s20;
	[sflag:s22] =	ssyncset.done $0x0  }
0xa0: {  	[sflag:s22] =	ssyncadd.s32 s3;
	_ =	sdelay $0x1  }
0xa1: {  	s23 =	simm.s32 $0x1B8B  }
0xa2: {  	_ =	swait.ge [sflag:s23], $0x1  }
0xa3: {  	[sflag:s23] =	ssyncset.done $0x0  }
0xa4: {  	s25 =	simm.s32 $0x1B8E;
	s24 =	sld [smem:$0x3FFE];
	[sflag:s23] =	ssyncadd.s32 $0xFFFFFFFF  }
0xa5: {  	s26 =	simm.s32 $execute0_lowered;
	[smem:$0x3FD2] =	sst s25  }
0xa6: {  	s4 =	sshll.u32 s26, $0x1;
	_ =	strace $0x8000004C;
	[dreg:$0x1] =	wrdreg $0xFFFFFFFF  }
0xa7: {  	s28 =	simm.s32 $_size_execute0_lowered;
	s2 =	sadd.s32 s2, s4;
	[dreg:$0x0] =	wrdreg $0x0  }
0xa8: {  	s4 =	sshll.u32 s28, $0x1;
	[dreg:$0x2] =	wrdreg s2  }
0xa9: {  	[dreg:$0x3] =	wrdreg s4  }
0xaa: {  	[dreg:$0x4] =	wrdreg $0xC0  }
0xab: {  	_ =	task [dreg:s6], $0x5FFFF  }
0xac: {  	[dreg:$0x1] =	wrdreg $0xFFFFFFFF  }
0xad: {  	[dreg:$0x0] =	wrdreg $0x60  }
0xae: {  	[dreg:$0x2] =	wrdreg s24  }
0xaf: {  	[dreg:$0x3] =	wrdreg $0xAF000  }
0xb0: {  	[dreg:$0x4] =	wrdreg $0xD7000  }
0xb1: {  	[dreg:$0x5] =	wrdreg $0x9  }
0xb2: {  	_ =	task.clear_ibuf [dreg:s6], $0x6FFFF;
	_ =	strace $0x9000004C  }
0xb3: {  	s29 =	simm.s32 $0x9;
	_ =	strace $0x8000004E  }
0xb4: {  	_ =	swait.ge [sflag:s29], $0x1  }
0xb5: {  	[sflag:s29] =	ssyncadd.s32 $0xFFFFFFFF  }
0xb6: {  	_ =	strace $0x9000004E  }
0xb7: {  	_ =	sfence  }
0xb8: {  	s30 =	sld [smem:$0x0];
	_ =	sdelay $0x2  }
0xb9: {  	s31 =	sshll.u32 s1, $0xD;
	s1 =	sshrl.u32 s1, $0x2  }
0xba: {  	s3 =	sand.u32 $0x4000, s31;
	s1 =	sadd.s32 s1, s30  }
0xbb: {  	s0 =	sor.u32 s3, s0;
	s1 =	sshll.u32 s1, $0x11  }
0xbc: {  	s0 =	sor.u32 s1, s0  }
0xbd: {  	s0 =	sadd.s32 $0x8F2B, s0  }
0xbe: {  	[sflag:s0] =	ssyncadd.remote.s32 $0x1  }
0xbf: {  	_ =	sfence.sel $0xFFFF  }
0xc0: {  	[dreg:$0x0] =	wrdreg $0xFFFFFFFF;
	(pc) =	sbr.abs _section_cstart, $3  }
0xc1: {  	[dreg:$0x1] =	wrdreg $0xFFFFFFFF  }
0xc2: {  	_ =	task.clear_ibuf [dreg:s6], $0x2FFFF;
	_ =	strace $0x9FFFFFFF  }
0xc3: {  	(tm) =	ssettm $0x7FFFFFFF  }
tec
execute0_lowered:
.L_overlay_start_1:
0x0: {  	(tag) =	ssettag $0x1  }
0x1: {  	s6 =	rddreg [dreg:$0x0]  }
0x2: {  	s2 =	rddreg [dreg:$0x1]  }
0x3: {  	s3 =	rddreg [dreg:$0x2]  }
0x4: {  	s0 =	rddreg [dreg:$0x3];
	s1 =	stileid.u32  }
0x5: {  	s4 =	simm.s32 $0x0;
	s7 =	srdreg.scid;
	s17 =	simm.s32 $0x3  }
0x6: {  	s18 =	simm.s32 $0x4F00;
	s19 =	simm.s32 $0x1;
	s20 =	simm.s32 $0x80  }
0x7: {  	s21 =	simm.s32 $0x0;
	s5 =	smul.u32 $0x500, s1;
	[smem:$0x7FF] =	sst s4  }
0x8: {  	s7 =	sand.u32 $0x1, s7;
	s12 =	smul.u32 $0x2800, s1;
	s10 =	sadd.s32 $0x1600, s6  }
0x9: {  	s11 =	sadd.s32 $0xB400, s6;
	p0 =	seq.s32 s1, $0xF;
	_ =	strace $0x8000004D  }
0xa: {  	s8 =	smul.u32 $0x28000, s7;
	s9 =	sshll.u32 s7, $0x4;
	s7 =	ssub.s32 $0x2, s7  }
0xb: {  	s5 =	sadd.s32 s5, s6;
	s16 =	sor.u32 s1, s9;
	s13 =	sshrl.u32 s7, $0x1  }
0xc: {  	s8 =	sadd.s32 s12, s8;
	s9 =	smul.u32 $0x2700, s16;
	s15 =	ssub.s32 s7, s13  }
0xd: {  	s5 =	sadd.s32 $0x15200, s5;
	s31 =	smul.u32 $0x4F0, s16;
	s13 =	sadd.s32 $0x25800, s3  }
0xe: {  	p1 =	sgt.u32 s16, $0x3;
	s16 =	simm.s32 $0x5F00;
	s8 =	sshrl.u32 s8, $0x3  }
0xf: {  	s15 =	smax.u32 s15, $0x1;
	s14 =	sadd.s32 s8, s6;
	s29 =	sshrl.u32 s9, $0x3  }
0x10: {  	s6 =	sadd.s32 $0x19D00, s6;
	s9 =	sadd.s32 s10, s31;
	s30 =	sadd.s32 $0x40, s29  }
0x11: {  	s14 =	sadd.s32 $0x1A200, s14;
	s7 =	sadd.s32 s10, s30;
	s8 =	sadd.s32 s11, s30  }
0x12: {  	v0 =	vimm.f32 $0.0e+00;
	s10 =	sadd.s32 s11, s31;
	s11 =	sadd.s32 s12, s2;
	s12 =	sadd.s32 s12, s3  }
.LBB2_1:
0x13: {  	s22 =	simm.s32 @p0 $0x0;
	s23 =	simm.s32 @p0 $0x8700  }
0x14: {  	[tilespmem:s23], [sflag:$0x2] =	stream.linear.gather @p0 [hbm4b:s6+s22], $0x1900, $0x38;
	[tilespmem:$0xFF00] =	vst v63  }
0x15: {  	s22 =	simm.s32 @!p0 $0x0;
	s23 =	simm.s32 @!p0 $0x8700  }
0x16: {  	[tilespmem:s23], [sflag:$0x2] =	stream.linear.gather @!p0 [hbm4b:s5+s22], $0x2800, $0x38;
	[tilespmem:$0xFF00] =	vst v63  }
0x17: {  	s22 =	simm.s32 @p1 $0x0;
	s23 =	simm.s32 @p1 $0x3  }
0x18: {  	[tilespmem:s22], [sflag:$0x3] =	stream.linear.gather @p1 [hbm4b:s7+s22], $0x2700, $0x38;
	[tilespmem:$0xFF00] =	vst v63  }
0x19: {  	_ =	swait.ge @p1 [sflag:s23], $0x2700  }
0x1a: {  	[sflag:s23] =	ssyncset.done @p1 $0x0  }
0x1b: {  	s24 =	simm.s32 @p1 $0x2780;
	[sflag:s23] =	ssyncadd.s32 @p1 $0xFFFFD900  }
0x1c: {  	[tilespmem:s24], [sflag:$0x3] =	stream.linear.gather @p1 [hbm4b:s8+s22], $0x2700, $0x38;
	[tilespmem:$0xFF00] =	vst v63  }
0x1d: {  	_ =	swait.ge @p1 [sflag:s23], $0x2700  }
0x1e: {  	[sflag:s23] =	ssyncset.done @p1 $0x0  }
0x1f: {  	s22 =	simm.s32 @!p1 $0x0;
	[sflag:s23] =	ssyncadd.s32 @p1 $0xFFFFD900;
	s23 =	simm.s32 @!p1 $0x3  }
0x20: {  	[tilespmem:s22], [sflag:$0x3] =	stream.linear.gather @!p1 [hbm4b:s9+s22], $0x2780, $0x38;
	[tilespmem:$0xFF00] =	vst v63  }
0x21: {  	_ =	swait.ge @!p1 [sflag:s23], $0x2780  }
0x22: {  	[sflag:s23] =	ssyncset.done @!p1 $0x0  }
0x23: {  	s24 =	simm.s32 @!p1 $0x2780;
	[sflag:s23] =	ssyncadd.s32 @!p1 $0xFFFFD880  }
0x24: {  	[tilespmem:s24], [sflag:$0x3] =	stream.linear.gather @!p1 [hbm4b:s10+s22], $0x2780, $0x38;
	[tilespmem:$0xFF00] =	vst v63  }
0x25: {  	_ =	swait.ge @!p1 [sflag:s23], $0x2780  }
0x26: {  	s22 =	simm.s32 @!p1 $0x4F;
	s24 =	simm.s32 $0x0;
	[sflag:s23] =	ssyncset.done @!p1 $0x0  }
0x27: {  	s22 =	simm.s32 @p1 $0x4E;
	[sflag:s23] =	ssyncadd.s32 @!p1 $0xFFFFD880;
	s23 =	simm.s32 $0x40  }
.LBB2_2:
0x28: {  	p2 =	sne.s32 s23, $0x9FC0;
	[tilespmem:s24+$0x5F00] =	vst v0;
	s24 =	smov.u32 s23;
	s23 =	sadd.s32 $0x40, s23  }
.Ltmp0:
0x29: {  	(pc) =	sbr.rel @p2 .LBB2_2-.Ltmp0, $2  }
0x2a: {  	_ =	sdelay $0x2  }
0x2b: {  	s24 =	sshra.s32 s24, $0x2  }
0x2c: {  	[tilespmem:s24+$0x5F00] =	vst v0  }
0x2d: {  	[spmem:s11] =	stream.linear.scatter [tilespmem:s16], [sflag:$0x3], $0x2800, $0x38;
	[tilespmem:$0xFF00] =	vst v63  }
0x2e: {  	_ =	swait.ge [sflag:s17], $0x2800  }
0x2f: {  	[sflag:s17] =	ssyncset.done $0x0  }
0x30: {  	s23 =	simm.s32 @p0 $0x2;
	[sflag:s17] =	ssyncadd.s32 $0xFFFFD800  }
0x31: {  	_ =	swait.ge @p0 [sflag:s23], $0x1900  }
0x32: {  	[sflag:s23] =	ssyncset.done @p0 $0x0  }
0x33: {  	[sflag:s23] =	ssyncadd.s32 @p0 $0xFFFFE700;
	s23 =	simm.s32 @p0 $0x8700  }
0x34: {  	[spmem:s13] =	stream.linear.scatter @p0 [tilespmem:s23], [sflag:$0x3], $0x1900, $0x38;
	[tilespmem:$0xFF00] =	vst v63  }
0x35: {  	s23 =	simm.s32 @p0 $0x3  }
0x36: {  	_ =	swait.ge @p0 [sflag:s23], $0x1900  }
0x37: {  	[sflag:s23] =	ssyncset.done @p0 $0x0  }
0x38: {  	[sflag:s23] =	ssyncadd.s32 @p0 $0xFFFFE700;
	s23 =	simm.s32 @!p0 $0x2  }
0x39: {  	_ =	swait.ge @!p0 [sflag:s23], $0x2800  }
0x3a: {  	[sflag:s23] =	ssyncset.done @!p0 $0x0  }
0x3b: {  	[sflag:s23] =	ssyncadd.s32 @!p0 $0xFFFFD800;
	s23 =	simm.s32 @!p0 $0x8700  }
0x3c: {  	[spmem:s12] =	stream.linear.scatter @!p0 [tilespmem:s23], [sflag:$0x3], $0x2800, $0x38;
	[tilespmem:$0xFF00] =	vst v63  }
0x3d: {  	s23 =	simm.s32 @!p0 $0x3  }
0x3e: {  	_ =	swait.ge @!p0 [sflag:s23], $0x2800  }
0x3f: {  	[sflag:s23] =	ssyncset.done @!p0 $0x0  }
0x40: {  	[sflag:s23] =	ssyncadd.s32 @!p0 $0xFFFFD800  }
0x41: {  	s30 =	simm.s32 $0x80;
	s31 =	simm.s32 $0x0;
	[bflag:$0x0] =	sbarrier.arrive $0xFFFF  }
0x42: {  	[tilespmem:s18], [sflag:$0x1] =	stream.indirect.gather [spmem:s3], $0x10, s4, s30, $0xb8;
	[tilespmem:$0xFF00] =	vst v63  }
0x43: {  	s24 =	sand.u32 $0x1, s31;
	_ =	swait.ge [sflag:s19], $0x800  }
0x44: {  	s24 =	sshll.u32 s24, $0xB;
	[sflag:s19] =	ssyncset.done $0x0  }
0x45: {  	p2 =	sne.s32 s22, $0x2;
	s25 =	ssub.s32 $0x5700, s24;
	[sflag:s19] =	ssyncadd.s32 $0xFFFFF800  }
0x46: {  	[tilespmem:s25], [sflag:$0x1] =	stream.indirect.gather [spmem:s3], $0x10, s30, s20, $0xb8;
	[tilespmem:$0xFF00] =	vst v63  }
.Ltmp1:
0x47: {  	_ = 	snop;
	(pc) =	sbr.rel @!p2 .LBB2_5-.Ltmp1, $4  }
0x48: {  	s24 =	sadd.s32 $0x4F00, s24;
	s23 =	simm.s32 $0x2780  }
0x49: {  	[spmem:s2] =	stream.indirect.scatter.add.f32 [tilespmem:s24], [sflag:$0x3], $0x10, s23, s20, $0xb8;
	[tilespmem:$0xFF00] =	vst v63  }
0x4a: {  	s26 =	simm.s32 $0x100;
	_ =	swait.ge [sflag:s17], $0x800  }
0x4b: {  	s25 =	simm.s32 $0x2;
	s24 =	simm.s32 $0x1;
	[sflag:s17] =	ssyncset.done $0x0  }
.LBB2_4:
0x4c: {  	s24 =	smov.u32 s25;
	s23 =	sadd.s32 $0x80, s23  }
0x4d: {  	s28 =	smov.u32 s25;
	s25 =	sadd.s32 $0x1, s25;
	[sflag:s17] =	ssyncadd.s32 $0xFFFFF800  }
0x4e: {  	s28 =	sadd.s32 $0xFFFFFFFF, s28;
	p2 =	sne.s32 s22, s25  }
0x4f: {  	s28 =	sand.u32 $0x1, s28;
	_ =	swait.ge [sflag:s19], $0x800  }
0x50: {  	s28 =	sshll.u32 s28, $0xB;
	[sflag:s19] =	ssyncset.done $0x0  }
0x51: {  	s29 =	ssub.s32 $0x5700, s28;
	[sflag:s19] =	ssyncadd.s32 $0xFFFFF800  }
0x52: {  	[tilespmem:s29], [sflag:$0x1] =	stream.indirect.gather [spmem:s3], $0x10, s26, s20, $0xb8;
	[tilespmem:$0xFF00] =	vst v63  }
.Ltmp2:
0x53: {  	_ = 	snop;
	(pc) =	sbr.rel @p2 .LBB2_4-.Ltmp2, $4  }
0x54: {  	s28 =	sadd.s32 $0x4F00, s28  }
0x55: {  	[spmem:s2] =	stream.indirect.scatter.add.f32 [tilespmem:s28], [sflag:$0x3], $0x10, s23, s20, $0xb8;
	[tilespmem:$0xFF00] =	vst v63  }
0x56: {  	_ =	swait.ge [sflag:s17], $0x800  }
0x57: {  	s26 =	sadd.s32 $0x80, s26;
	[sflag:s17] =	ssyncset.done $0x0  }
.LBB2_5:
0x58: {  	[sflag:s17] =	ssyncadd.s32 $0xFFFFF800  }
0x59: {  	s22 =	sand.u32 $0x1, s24;
	_ =	swait.ge [sflag:s19], $0x800  }
0x5a: {  	s22 =	sshll.u32 s22, $0xB;
	[sflag:s19] =	ssyncset.done $0x0  }
0x5b: {  	s23 =	sadd.s32 $0x80, s23;
	s22 =	sadd.s32 $0x4F00, s22;
	[sflag:s19] =	ssyncadd.s32 $0xFFFFF800  }
0x5c: {  	[spmem:s2] =	stream.indirect.scatter.add.f32 [tilespmem:s22], [sflag:$0x3], $0x10, s23, s20, $0xb8;
	[tilespmem:$0xFF00] =	vst v63  }
0x5d: {  	_ =	swait.ge [sflag:s17], $0x800  }
0x5e: {  	[sflag:s17] =	ssyncset.done $0x0  }
0x5f: {  	[sflag:s17] =	ssyncadd.s32 $0xFFFFF800  }
0x60: {  	[bflag:$0x0] =	sbarrier.arrive $0xFFFF  }
0x61: {  	[tilespmem:s16], [sflag:$0x3] =	stream.linear.gather [spmem:s11], $0x2800, $0x38;
	[tilespmem:$0xFF00] =	vst v63  }
0x62: {  	s21 =	sadd.s32 $0x1, s21;
	_ =	swait.ge [sflag:s17], $0x2800  }
0x63: {  	p2 =	sne.s32 s21, s15;
	[sflag:s17] =	ssyncset.done $0x0  }
.Ltmp3:
0x64: {  	[sflag:s17] =	ssyncadd.s32 $0xFFFFD800;
	(pc) =	sbr.rel @p2 .LBB2_1-.Ltmp3, $4  }
0x65: {  	[hbm4b:s14+s4] =	stream.linear.scatter [tilespmem:s16], [sflag:$0x3], $0x2800, $0x38;
	[tilespmem:$0xFF00] =	vst v63  }
0x66: {  	_ =	swait.ge [sflag:s17], $0x2800  }
0x67: {  	[sflag:s17] =	ssyncset.done $0x0  }
0x68: {  	[sflag:s17] =	ssyncadd.s32 $0xFFFFD800  }
0x69: {  	_ =	sfence.sel $0x180000  }
0x6a: {  	[bflag:$0x0] =	sbarrier.arrive $0xFFFF  }
0x6b: {  	p0 =	sne.s32 s1, $0x0;
	_ =	strace $0x9000004D  }
0x6c: {  	s0 =	sadd.s32 @!p0 $0x100000, s0;
	[bflag:$0x2] =	sbarrier.arrive $0xFFFF  }
0x6d: {  	[sflag:s0] =	ssyncadd.tile.s32 @!p0 $0x1;
	_ =	shalt  }
.Lfunc_end2:
_tile_overlayer_lowered:
.L_overlay_start_2:
0x6e: {  	(tag) =	ssettag $0x2  }
0x6f: {  	s0 =	rddreg [dreg:$0x0];
	s2 =	stileid.u32  }
0x70: {  	s1 =	rddreg [dreg:$0x1];
	p0 =	sne.s32 s2, $0x0  }
0x71: {  	s3 =	rddreg [dreg:$0x2];
	[bflag:$0x3] =	sbarrier.arrive $0xFFFF;
	s2 =	simm.s32 @!p0 $0x1C03  }
0x72: {  	[timem:s3], [sflag:s2] =	dma.local @!p0 [hbm:s0], s1  }
0x73: {  	s0 =	simm.s32 @!p0 $0x3  }
0x74: {  	_ =	swait.ge @!p0 [sflag:s0], s1  }
0x75: {  	s1 =	ssub.s32 @!p0 $0x0, s1;
	[sflag:s0] =	ssyncset.done @!p0 $0x0  }
0x76: {  	[sflag:s0] =	ssyncadd.s32 @!p0 s1  }
0x77: {  	[bflag:$0x3] =	sbarrier.arrive $0xFFFF  }
0x78: {  	_ =	shalt  }

// kernel: kernel.8.cloned.1.call-start
scs
__scs_entry_jumppad:
0x0: {  	(pc) =	sbr.rel $0x88, $3  }
0x1: {  	(tag) =	ssettag $0x0;
	lr =	simm.s32 $0x1  }
0x2: {  	[smem:$0x3F9B] =	sst lr;
	_ =	strace $0xD0000000  }
0x3: {  	_ = 	snop  }
0x4: {  	_ = 	snop  }
0x5: {  	_ = 	snop  }
0x6: {  	_ = 	snop  }
0x7: {  	_ = 	snop  }
__scs_overlays_trampoline_lowered:
0x8: {  	[smem:$0x3FAA] =	sst s0  }
0x9: {  	[smem:$0x3FAB] =	sst s1  }
0xa: {  	[smem:$0x3FAC] =	sst s2  }
0xb: {  	[smem:$0x3FAD] =	sst s3  }
0xc: {  	[smem:$0x3FAE] =	sst s4  }
0xd: {  	[smem:$0x3FAF] =	sst s5  }
0xe: {  	[smem:$0x3FB0] =	sst s6  }
0xf: {  	[smem:$0x3FB1] =	sst s7  }
0x10: {  	[smem:$0x3FB2] =	sst s8  }
0x11: {  	[smem:$0x3FB3] =	sst s9;
	s0 =	simm.s32 @!p0 $0x0  }
0x12: {  	s1 =	sld [smem:$0x3F99];
	s0 =	simm.s32 @p0 $0x1  }
0x13: {  	[smem:$0x3FB4] =	sst s0;
	s0 =	simm.s32 @!p1 $0x0  }
0x14: {  	s2 =	sld [smem:$0x3F98];
	s0 =	simm.s32 @p1 $0x1  }
0x15: {  	[smem:$0x3FB5] =	sst s0;
	s0 =	simm.s32 @!p2 $0x0  }
0x16: {  	s3 =	sld [smem:$0x3FDB];
	s0 =	simm.s32 @p2 $0x1  }
0x17: {  	s4 =	simm.s32 $0x1BF5;
	[smem:$0x3FB7] =	sst s0  }
0x18: {  	s0 =	sld [smem:$0x3F9A];
	_ =	swait.ge [sflag:s4], $0x0  }
0x19: {  	s7 =	sld [smem:$0x3F9B]  }
0x1a: {  	s8 =	sadd.s32 $0xFFFFE003, lr  }
0x1b: {  	s9 =	sadd.s32 $0xFFFFFEF7, lr;
	s5 =	simm.s32 $0xFFFFFFFF;
	p2 =	slt.u32 s8, $0xFFFFF086  }
0x1c: {  	p1 =	slt.u32 s9, $0xF7A;
	s5 =	simm.s32 @!p2 $0x0  }
0x1d: {  	s5 =	simm.s32 @p1 $0x1;
	p0 =	seq.s32 s7, s2  }
0x1e: {  	s7 =	smul.u32 @!p0 $0xF7A, s2;
	p2 =	seq.s32 @!p0 s5, $0x0  }
0x1f: {  	s9 =	smul.u32 $0xF7A, s1;
	s8 =	simm.s32 @!p0 $0x1BF5;
	p2 =	por !p2, p0  }
0x20: {  	[sflag:s8] =	ssyncset.s32 @!p0 $0xFFFFF086;
	s6 =	sadd.s32 @!p0 s3, s7;
	s7 =	simm.s32 @!p0 $0x108  }
0x21: {  	s3 =	sadd.s32 s3, s9;
	s6 =	sadd.s32 @!p0 $0x88, s6;
	s7 =	simm.s32 @p2 $0x1082  }
0x22: {  	[simem:s7], [sflag:s8] =	dma.local @!p0 [hbm:s6], $0xF7A  }
0x23: {  	s9 =	sor.u32 $0xD0000000, s2;
	s6 =	simm.s32 $0x108;
	_ =	swait.ge @!p0 [sflag:s8], $0x0  }
0x24: {  	s3 =	sadd.s32 $0x88, s3;
	s6 =	simm.s32 @!p1 $0x1082;
	[sflag:s4] =	ssyncset.s32 $0xFFFFF086  }
0x25: {  	[simem:s6], [sflag:s4] =	dma.local [hbm:s3], $0xF7A  }
0x26: {  	[smem:$0x3F9B] =	sst s1;
	(tag) =	ssettag s2;
	_ =	strace s9  }
0x27: {  	s1 =	sld [smem:$0x3FAB]  }
0x28: {  	s2 =	sld [smem:$0x3FAC]  }
0x29: {  	s4 =	sld [smem:$0x3FAE]  }
0x2a: {  	p0 =	seq.s32 s5, $0x0;
	s5 =	sld [smem:$0x3FAF]  }
0x2b: {  	s6 =	sld [smem:$0x3FB0]  }
0x2c: {  	s7 =	sld [smem:$0x3FB1]  }
0x2d: {  	s3 =	simm.s32 $0x108;
	s8 =	sld [smem:$0x3FB2]  }
0x2e: {  	s3 =	simm.s32 @!p0 $0x1082;
	s9 =	sld [smem:$0x3FB3]  }
0x2f: {  	lr =	sadd.s32 s0, s3;
	s0 =	sld [smem:$0x3FAA]  }
0x30: {  	s3 =	sld [smem:$0x3FAD]  }
0x31: {  	[smem:$0x3FB6] =	sst s10  }
0x32: {  	s10 =	sld [smem:$0x3FB4];
	_ =	sdelay $0x3  }
0x33: {  	p0 =	seq.s32 s10, $0x1;
	s10 =	sld [smem:$0x3FB6];
	_ =	sdelay $0x3  }
0x34: {  	[smem:$0x3FB6] =	sst s10  }
0x35: {  	s10 =	sld [smem:$0x3FB5];
	_ =	sdelay $0x3  }
0x36: {  	p1 =	seq.s32 s10, $0x1;
	s10 =	sld [smem:$0x3FB6];
	_ =	sdelay $0x3  }
0x37: {  	[smem:$0x3FB6] =	sst s10  }
0x38: {  	s10 =	sld [smem:$0x3FB7]  }
0x39: {  	_ = 	snop;
	(pc) =	sbr.ind lr, $3  }
0x3a: {  	_ = 	snop  }
0x3b: {  	_ = 	snop  }
0x3c: {  	p2 =	seq.s32 s10, $0x1;
	s10 =	sld [smem:$0x3FB6]  }
0x3d: {  	_ =	shalt  }
0x3e: {  	_ =	shalt  }
0x3f: {  	_ =	shalt  }
0x40: {  	_ =	shalt  }
0x41: {  	_ =	shalt  }
0x42: {  	_ =	shalt  }
0x43: {  	_ =	shalt  }
0x44: {  	_ =	shalt  }
0x45: {  	_ =	shalt  }
0x46: {  	_ =	shalt  }
0x47: {  	_ =	shalt  }
0x48: {  	_ =	shalt  }
0x49: {  	_ =	shalt  }
0x4a: {  	_ =	shalt  }
0x4b: {  	_ =	shalt  }
0x4c: {  	_ =	shalt  }
0x4d: {  	_ =	shalt  }
0x4e: {  	_ =	shalt  }
0x4f: {  	_ =	shalt  }
0x50: {  	_ =	shalt  }
0x51: {  	_ =	shalt  }
0x52: {  	_ =	shalt  }
0x53: {  	_ =	shalt  }
0x54: {  	_ =	shalt  }
0x55: {  	_ =	shalt  }
0x56: {  	_ =	shalt  }
0x57: {  	_ =	shalt  }
0x58: {  	_ =	shalt  }
0x59: {  	_ =	shalt  }
0x5a: {  	_ =	shalt  }
0x5b: {  	_ =	shalt  }
0x5c: {  	_ =	shalt  }
0x5d: {  	_ =	shalt  }
0x5e: {  	_ =	shalt  }
0x5f: {  	_ =	shalt  }
0x60: {  	_ =	shalt  }
0x61: {  	_ =	shalt  }
0x62: {  	_ =	shalt  }
0x63: {  	_ =	shalt  }
0x64: {  	_ =	shalt  }
0x65: {  	_ =	shalt  }
0x66: {  	_ =	shalt  }
0x67: {  	_ =	shalt  }
0x68: {  	_ =	shalt  }
0x69: {  	_ =	shalt  }
0x6a: {  	_ =	shalt  }
0x6b: {  	_ =	shalt  }
0x6c: {  	_ =	shalt  }
0x6d: {  	_ =	shalt  }
0x6e: {  	_ =	shalt  }
0x6f: {  	_ =	shalt  }
0x70: {  	_ =	shalt  }
0x71: {  	_ =	shalt  }
0x72: {  	_ =	shalt  }
0x73: {  	_ =	shalt  }
0x74: {  	_ =	shalt  }
0x75: {  	_ =	shalt  }
0x76: {  	_ =	shalt  }
0x77: {  	_ =	shalt  }
0x78: {  	_ =	shalt  }
0x79: {  	_ =	shalt  }
0x7a: {  	_ =	shalt  }
0x7b: {  	_ =	shalt  }
0x7c: {  	_ =	shalt  }
0x7d: {  	_ =	shalt  }
0x7e: {  	_ =	shalt  }
0x7f: {  	_ =	shalt  }
0x80: {  	_ =	shalt  }
0x81: {  	_ =	shalt  }
0x82: {  	_ =	shalt  }
0x83: {  	_ =	shalt  }
0x84: {  	_ =	shalt  }
0x85: {  	_ =	shalt  }
0x86: {  	_ =	shalt  }
0x87: {  	_ =	shalt  }
.Lfunc_end0:
.L_simem_size_0:
called_computation_lowered:
.L_overlay_start_0:
0x88: {  	s2 =	sld [smem:$0x3FD9]  }
0x89: {  	s3 =	sld [smem:$0x3FFE];
	_ =	sdelay $0x1  }
0x8a: {  	s1 =	srdreg.scid  }
0x8b: {  	s0 =	sand.u32 $0x1, s1  }
0x8c: {  	s16 =	sshll.u32 s0, $0xA;
	s2 =	sadd.s32 s3, s2  }
0x8d: {  	s2 =	sadd.s32 s2, s16  }
0x8e: {  	[smem:$0x3FC2] =	sst s2  }
0x8f: {  	_ = 	snop  }
0x90: {  	(tm) =	ssettm $0x1  }
0x91: {  	s17 =	sld [smem:$0x3FFB];
	_ =	sdelay $0x3  }
0x92: {  	_ =	strace s17  }
0x93: {  	s2 =	sld [smem:$0x3FFC];
	_ =	sdelay $0x3  }
0x94: {  	_ =	strace s2  }
0x95: {  	s2 =	sld [smem:$0x3FFD];
	_ =	sdelay $0x3  }
0x96: {  	_ =	strace s2  }
0x97: {  	_ =	strace $0x8FFFFFFF  }
0x98: {  	s18 =	sld [smem:$0x3FDB];
	_ =	sdelay $0x1  }
0x99: {  	s19 =	simm.s32 $_scs_section_size  }
0x9a: {  	s4 =	simm.s32 $_size__tile_overlayer_lowered;
	s5 =	simm.s32 $_tile_overlayer_lowered  }
0x9b: {  	s22 =	simm.s32 $0x1BFF;
	s21 =	sshll.u32 s5, $0x1;
	s2 =	sadd.s32 s19, s18  }
0x9c: {  	s6 =	simm.s32 $0x0;
	s20 =	sshll.u32 s4, $0x1;
	s4 =	sadd.s32 s21, s2  }
0x9d: {  	[timem:s6], [sflag:s22] =	dma.local [hbm:s4], s20  }
0x9e: {  	_ =	swait.ge [sflag:s22], s20  }
0x9f: {  	s3 =	ssub.s32 $0x0, s20;
	[sflag:s22] =	ssyncset.done $0x0  }
0xa0: {  	[sflag:s22] =	ssyncadd.s32 s3;
	_ =	sdelay $0x1  }
0xa1: {  	s23 =	simm.s32 $0x1B8B  }
0xa2: {  	_ =	swait.ge [sflag:s23], $0x1  }
0xa3: {  	[sflag:s23] =	ssyncset.done $0x0  }
0xa4: {  	s25 =	simm.s32 $0x1B8E;
	s24 =	sld [smem:$0x3FFE];
	[sflag:s23] =	ssyncadd.s32 $0xFFFFFFFF  }
0xa5: {  	s26 =	simm.s32 $execute0_lowered;
	[smem:$0x3FD2] =	sst s25  }
0xa6: {  	s4 =	sshll.u32 s26, $0x1;
	_ =	strace $0x80000046;
	[dreg:$0x1] =	wrdreg $0xFFFFFFFF  }
0xa7: {  	s28 =	simm.s32 $_size_execute0_lowered;
	s2 =	sadd.s32 s2, s4;
	[dreg:$0x0] =	wrdreg $0x0  }
0xa8: {  	s4 =	sshll.u32 s28, $0x1;
	[dreg:$0x2] =	wrdreg s2  }
0xa9: {  	[dreg:$0x3] =	wrdreg s4  }
0xaa: {  	[dreg:$0x4] =	wrdreg $0xC0  }
0xab: {  	_ =	task [dreg:s6], $0x5FFFF  }
0xac: {  	[dreg:$0x1] =	wrdreg $0xFFFFFFFF  }
0xad: {  	[dreg:$0x0] =	wrdreg $0x60  }
0xae: {  	[dreg:$0x2] =	wrdreg s24  }
0xaf: {  	[dreg:$0x3] =	wrdreg $0x57800  }
0xb0: {  	[dreg:$0x4] =	wrdreg $0x9  }
0xb1: {  	_ =	task.clear_ibuf [dreg:s6], $0x5FFFF;
	_ =	strace $0x90000046  }
0xb2: {  	s29 =	simm.s32 $0x9;
	_ =	strace $0x80000048  }
0xb3: {  	_ =	swait.ge [sflag:s29], $0x1  }
0xb4: {  	[sflag:s29] =	ssyncadd.s32 $0xFFFFFFFF  }
0xb5: {  	_ =	strace $0x90000048  }
0xb6: {  	_ =	sfence  }
0xb7: {  	s30 =	sld [smem:$0x0];
	_ =	sdelay $0x2  }
0xb8: {  	s31 =	sshll.u32 s1, $0xD;
	s1 =	sshrl.u32 s1, $0x2  }
0xb9: {  	s3 =	sand.u32 $0x4000, s31;
	s1 =	sadd.s32 s1, s30  }
0xba: {  	s0 =	sor.u32 s3, s0;
	s1 =	sshll.u32 s1, $0x11  }
0xbb: {  	s0 =	sor.u32 s1, s0  }
0xbc: {  	s0 =	sadd.s32 $0x8F2B, s0  }
0xbd: {  	[sflag:s0] =	ssyncadd.remote.s32 $0x1  }
0xbe: {  	_ =	sfence.sel $0xFFFF  }
0xbf: {  	[dreg:$0x0] =	wrdreg $0xFFFFFFFF;
	(pc) =	sbr.abs _section_cstart, $3  }
0xc0: {  	[dreg:$0x1] =	wrdreg $0xFFFFFFFF  }
0xc1: {  	_ =	task.clear_ibuf [dreg:s6], $0x2FFFF;
	_ =	strace $0x9FFFFFFF  }
0xc2: {  	(tm) =	ssettm $0x7FFFFFFF  }
0xc3: {  	_ =	shalt  }
tec
execute0_lowered:
.L_overlay_start_1:
0x0: {  	(tag) =	ssettag $0x1  }
0x1: {  	s1 =	srdreg.scid;
	s4 =	rddreg [dreg:$0x0]  }
0x2: {  	s0 =	stileid.u32;
	s2 =	rddreg [dreg:$0x1];
	s3 =	simm.s32 $0x0  }
0x3: {  	s13 =	simm.s32 $0x0;
	s5 =	sand.u32 $0x1, s1;
	s1 =	rddreg [dreg:$0x2]  }
0x4: {  	s6 =	smul.u32 $0x2800, s0;
	[smem:$0x7FF] =	sst s3;
	s8 =	sshll.u32 s5, $0x4  }
0x5: {  	s10 =	sadd.s32 $0xB400, s4;
	s7 =	smul.u32 $0x28000, s5;
	s9 =	sor.u32 s0, s8  }
0x6: {  	_ =	strace $0x80000047;
	s5 =	ssub.s32 $0x2, s5;
	s8 =	smul.u32 $0x2700, s9  }
0x7: {  	s31 =	sshrl.u32 s5, $0x1;
	s7 =	sadd.s32 s6, s7;
	s11 =	smul.u32 $0x4F0, s9  }
0x8: {  	s12 =	ssub.s32 s5, s31;
	s6 =	sadd.s32 s6, s2;
	p0 =	sgt.u32 s9, $0x3  }
0x9: {  	s9 =	simm.s32 $0x2F80;
	s7 =	sshrl.u32 s7, $0x3;
	s8 =	sshrl.u32 s8, $0x3  }
0xa: {  	s7 =	sadd.s32 s7, s4;
	s5 =	sadd.s32 s10, s11;
	s11 =	simm.s32 $0x80  }
0xb: {  	s8 =	sadd.s32 s10, s8;
	s7 =	sadd.s32 $0x15200, s7;
	s10 =	simm.s32 $0x1  }
0xc: {  	v0 =	vimm.f32 $1.000000000e+00;
	v1 =	vimm.f32 $0.0e+00;
	s4 =	sadd.s32 $0x40, s8;
	s8 =	smax.u32 s12, $0x1;
	s12 =	simm.s32 $0x2780  }
.LBB2_1:
0xd: {  	s14 =	simm.s32 @p0 $0x0  }
0xe: {  	[tilespmem:s14], [sflag:$0x1] =	stream.linear.gather @p0 [hbm4b:s4+s14], $0x2700, $0x38;
	[tilespmem:$0x7F80] =	vst v63  }
0xf: {  	s14 =	simm.s32 @p0 $0x1  }
0x10: {  	_ =	swait.ge @p0 [sflag:s14], $0x2700  }
0x11: {  	[sflag:s14] =	ssyncset.done @p0 $0x0  }
0x12: {  	s15 =	simm.s32 @!p0 $0x1;
	[sflag:s14] =	ssyncadd.s32 @p0 $0xFFFFD900;
	s14 =	simm.s32 @!p0 $0x0  }
0x13: {  	[tilespmem:s14], [sflag:$0x1] =	stream.linear.gather @!p0 [hbm4b:s5+s14], $0x2780, $0x38;
	[tilespmem:$0x7F80] =	vst v63  }
0x14: {  	_ =	swait.ge @!p0 [sflag:s15], $0x2780  }
0x15: {  	s14 =	simm.s32 @!p0 $0x4F;
	[sflag:s15] =	ssyncset.done @!p0 $0x0  }
0x16: {  	s14 =	simm.s32 @p0 $0x4E;
	[sflag:s15] =	ssyncadd.s32 @!p0 $0xFFFFD880;
	s15 =	simm.s32 $0x0  }
.LBB2_2:
0x17: {  	p1 =	sne.s32 s15, $0x1FC0  }
.Ltmp0:
0x18: {  	_ = 	snop;
	(pc) =	sbr.rel @p1 .LBB2_2-.Ltmp0, $3  }
0x19: {  	_ =	sdelay $0x1  }
0x1a: {  	s16 =	sshra.s32 s15, $0x2  }
0x1b: {  	s15 =	sadd.s32 $0x40, s15;
	[tilespmem:s16+$0x2780] =	vst v0  }
0x1c: {  	s15 =	simm.s32 $0x40;
	s16 =	simm.s32 $0x0  }
.LBB2_4:
0x1d: {  	p1 =	sne.s32 s15, $0x9FC0;
	[tilespmem:s16+$0x2F80] =	vst v1;
	s16 =	smov.u32 s15;
	s15 =	sadd.s32 $0x40, s15  }
.Ltmp1:
0x1e: {  	(pc) =	sbr.rel @p1 .LBB2_4-.Ltmp1, $2  }
0x1f: {  	_ =	sdelay $0x2  }
0x20: {  	s16 =	sshra.s32 s16, $0x2  }
0x21: {  	[tilespmem:s16+$0x2F80] =	vst v1  }
0x22: {  	[spmem:s6] =	stream.linear.scatter [tilespmem:s9], [sflag:$0x1], $0x2800, $0x38;
	[tilespmem:$0x7F80] =	vst v63  }
0x23: {  	_ =	swait.ge [sflag:s10], $0x2800  }
0x24: {  	p1 =	sne.s32 s14, $0x1;
	[sflag:s10] =	ssyncset.done $0x0  }
.Ltmp2:
0x25: {  	[sflag:s10] =	ssyncadd.s32 $0xFFFFD800;
	(pc) =	sbr.rel @!p1 .LBB2_7-.Ltmp2, $4  }
0x26: {  	s15 =	simm.s32 $0x0;
	[bflag:$0x0] =	sbarrier.arrive $0xFFFF  }
0x27: {  	[spmem:s2] =	stream.indirect.scatter.add.f32 [tilespmem:s12], [sflag:$0x1], $0x10, s15, s11, $0xb8;
	[tilespmem:$0x7F80] =	vst v63  }
0x28: {  	_ =	swait.ge [sflag:s10], $0x800  }
0x29: {  	s14 =	sadd.s32 $0xFFFFFFFF, s14;
	[sflag:s10] =	ssyncset.done $0x0  }
.LBB2_6:
0x2a: {  	p1 =	sne.s32 s14, $0x1;
	[sflag:s10] =	ssyncadd.s32 $0xFFFFF800;
	s15 =	sadd.s32 $0x80, s15  }
.Ltmp3:
0x2b: {  	s14 =	sadd.s32 $0xFFFFFFFF, s14;
	(pc) =	sbr.rel @p1 .LBB2_6-.Ltmp3, $4  }
0x2c: {  	_ = 	snop  }
0x2d: {  	[spmem:s2] =	stream.indirect.scatter.add.f32 [tilespmem:s12], [sflag:$0x1], $0x10, s15, s11, $0xb8;
	[tilespmem:$0x7F80] =	vst v63  }
0x2e: {  	_ =	swait.ge [sflag:s10], $0x800  }
0x2f: {  	[sflag:s10] =	ssyncset.done $0x0  }
.LBB2_7:
0x30: {  	[sflag:s10] =	ssyncadd.s32 $0xFFFFF800  }
0x31: {  	[bflag:$0x0] =	sbarrier.arrive $0xFFFF  }
0x32: {  	[tilespmem:s9], [sflag:$0x1] =	stream.linear.gather [spmem:s6], $0x2800, $0x38;
	[tilespmem:$0x7F80] =	vst v63  }
0x33: {  	s13 =	sadd.s32 $0x1, s13;
	_ =	swait.ge [sflag:s10], $0x2800  }
0x34: {  	p1 =	sne.s32 s13, s8;
	[sflag:s10] =	ssyncset.done $0x0  }
.Ltmp4:
0x35: {  	[sflag:s10] =	ssyncadd.s32 $0xFFFFD800;
	(pc) =	sbr.rel @p1 .LBB2_1-.Ltmp4, $4  }
0x36: {  	[hbm4b:s7+s3] =	stream.linear.scatter [tilespmem:s9], [sflag:$0x1], $0x2800, $0x38;
	[tilespmem:$0x7F80] =	vst v63  }
0x37: {  	_ =	swait.ge [sflag:s10], $0x2800  }
0x38: {  	[sflag:s10] =	ssyncset.done $0x0  }
0x39: {  	[sflag:s10] =	ssyncadd.s32 $0xFFFFD800  }
0x3a: {  	_ =	sfence.sel $0x180000  }
0x3b: {  	[bflag:$0x0] =	sbarrier.arrive $0xFFFF  }
0x3c: {  	p0 =	sne.s32 s0, $0x0;
	_ =	strace $0x90000047  }
0x3d: {  	s0 =	sadd.s32 @!p0 $0x100000, s1;
	[bflag:$0x2] =	sbarrier.arrive $0xFFFF  }
0x3e: {  	[sflag:s0] =	ssyncadd.tile.s32 @!p0 $0x1;
	_ =	shalt  }
.Lfunc_end2:
_tile_overlayer_lowered:
.L_overlay_start_2:
0x3f: {  	(tag) =	ssettag $0x2  }
0x40: {  	s0 =	rddreg [dreg:$0x0];
	s2 =	stileid.u32  }
0x41: {  	s1 =	rddreg [dreg:$0x1];
	p0 =	sne.s32 s2, $0x0  }
0x42: {  	s3 =	rddreg [dreg:$0x2];
	[bflag:$0x3] =	sbarrier.arrive $0xFFFF;
	s2 =	simm.s32 @!p0 $0x1C01  }
0x43: {  	[timem:s3], [sflag:s2] =	dma.local @!p0 [hbm:s0], s1  }
0x44: {  	s0 =	simm.s32 @!p0 $0x1  }
0x45: {  	_ =	swait.ge @!p0 [sflag:s0], s1  }
0x46: {  	s1 =	ssub.s32 @!p0 $0x0, s1;
	[sflag:s0] =	ssyncset.done @!p0 $0x0  }
0x47: {  	[sflag:s0] =	ssyncadd.s32 @!p0 s1  }
0x48: {  	[bflag:$0x3] =	sbarrier.arrive $0xFFFF  }
0x49: {  	_ =	shalt  }

</sc_bundles>
